<compile_context>
chip_gen: v7x
topology: tpu7x:2x2x1
jax: 0.10.2.dev20260603
libtpu: 0.0.44.dev20260713+nightly
codegen_flags: <defaults>
</compile_context>

<pallas_src>
import functools

import jax
import jax.numpy as jnp
from jax import lax
from jax.experimental import pallas as pl
from jax.experimental.pallas import tpu as pltpu
from jax.experimental.pallas import tpu_sc as plsc

L = 16
NC = 2
NS = 16
NW = NC * NS
CHUNK = 256
SUPER = 8192


def _make_sc_kernel(n_user, n_movie, dim, e):
    assert dim % L == 0 and e % (NW * SUPER) == 0
    epw = e // NW
    nch = SUPER // CHUNK
    nsuper = epw // SUPER
    mesh = plsc.VectorSubcoreMesh(core_axis_name="c", subcore_axis_name="s")

    @functools.partial(
        pl.kernel,
        mesh=mesh,
        compiler_params=pltpu.CompilerParams(
            needs_layout_passes=False, use_tc_tiling_on_sc=False),
        out_type=jax.ShapeDtypeStruct((e,), jnp.float32),
        scratch_types=[
            pltpu.VMEM((SUPER,), jnp.int32),
            pltpu.VMEM((SUPER,), jnp.int32),
            pltpu.VMEM((CHUNK, dim), jnp.float32),
            pltpu.VMEM((CHUNK, dim), jnp.float32),
            pltpu.VMEM((CHUNK, dim), jnp.float32),
            pltpu.VMEM((CHUNK, dim), jnp.float32),
            pltpu.VMEM((epw,), jnp.float32),
            pltpu.SemaphoreType.DMA,
            pltpu.SemaphoreType.DMA,
            pltpu.SemaphoreType.DMA,
            pltpu.SemaphoreType.DMA,
        ],
    )
    def sc_kernel(xu, xm, eli, out, uidx_v, midx_v, ru0, ru1, rm0, rm1,
                  out_v, su0, su1, sm0, sm1):
        cid = lax.axis_index("c")
        sid = lax.axis_index("s")
        wid = sid * NC + cid
        base = wid * epw
        iota16 = lax.iota(jnp.int32, L)
        rbufs = ((ru0, rm0, su0, sm0), (ru1, rm1, su1, sm1))

        def fire(b, j):
            ru, rm, su, sm = rbufs[b]
            jj = pl.multiple_of(j * CHUNK, CHUNK)
            pltpu.async_copy(xu.at[uidx_v.at[pl.ds(jj, CHUNK)]], ru, su)
            pltpu.async_copy(xm.at[midx_v.at[pl.ds(jj, CHUNK)]], rm, sm)

        def wait(b):
            ru, rm, su, sm = rbufs[b]
            pltpu.make_async_copy(xu.at[pl.ds(0, CHUNK)], ru, su).wait()
            pltpu.make_async_copy(xm.at[pl.ds(0, CHUNK)], rm, sm).wait()

        def compute_chunk(b, out_off):
            ru, rm, _, _ = rbufs[b]

            def group_body(g, carry):
                for el in range(L):
                    row = g * L + el
                    acc = ru[row, pl.ds(0, L)] * rm[row, pl.ds(0, L)]
                    for k in range(1, dim // L):
                        acc = acc + (ru[row, pl.ds(k * L, L)]
                                     * rm[row, pl.ds(k * L, L)])
                    tot = plsc.cumsum(acc)
                    plsc.store_scatter(
                        out_v,
                        [jnp.full((L,), out_off + g * L + el, jnp.int32)],
                        tot, mask=iota16 == (L - 1))
                res = out_v[pl.ds(out_off + g * L, L)]
                pred = 1.0 / (1.0 + jnp.exp(-res))
                out_v[pl.ds(out_off + g * L, L)] = pred
                return carry
            lax.fori_loop(0, CHUNK // L, group_body, 0)

        def super_body(s, carry):
            soff = pl.multiple_of(base + s * SUPER, SUPER)
            pltpu.sync_copy(eli.at[pl.ds(soff, SUPER)], uidx_v)
            pltpu.sync_copy(eli.at[pl.ds(soff + e, SUPER)], midx_v)

            fire(0, 0)

            def pair_body(jp, c2):
                j0 = jp * 2
                fire(1, j0 + 1)
                wait(0)
                compute_chunk(0, s * SUPER + j0 * CHUNK)

                @pl.when(j0 + 2 < nch)
                def _prefetch():
                    fire(0, j0 + 2)

                wait(1)
                compute_chunk(1, s * SUPER + (j0 + 1) * CHUNK)
                return c2
            lax.fori_loop(0, nch // 2, pair_body, 0)
            return carry

        lax.fori_loop(0, nsuper, super_body, 0)
        pltpu.sync_copy(out_v, out.at[pl.ds(base, epw)])

    return sc_kernel


def kernel(x_user, x_movie, edge_label_index):
    n_user, dim = x_user.shape
    n_movie, _ = x_movie.shape
    e = edge_label_index.shape[1]
    eli = edge_label_index.astype(jnp.int32).reshape(-1)
    sc = _make_sc_kernel(n_user, n_movie, dim, e)
    return sc(x_user, x_movie, eli)

# --- scband reference (transcript-rebuilt; emitter-appended) ---
"""Pipeline reference for scband-classifier-67087389163616 (READ-ONLY COPY).

The authoritative reference and input builder live on the scoring server;
editing this copy changes nothing except your own understanding.
"""

import jax, jax.numpy as jnp
import numpy as np

N_USER = 1000000
N_MOVIE = 1000000
DIM = 64
E = 1048576

def setup_inputs(seed: int = 0) -> dict:
    key = jax.random.key(seed)
    k1, k2, k3 = jax.random.split(key, 3)
    x_user = jax.random.normal(k1, (N_USER, DIM), dtype=jnp.float32)
    x_movie = jax.random.normal(k2, (N_MOVIE, DIM), dtype=jnp.float32)
    edge_label_index = jax.random.randint(k3, (2, E), 0, N_USER, dtype=jnp.int64)
    return {"x_user": x_user, "x_movie": x_movie, "edge_label_index": edge_label_index}

def reference(x_user, x_movie, edge_label_index):
    edge_feat_user = jnp.take(x_user, edge_label_index[0], axis=0)
    edge_feat_movie = jnp.take(x_movie, edge_label_index[1], axis=0)
    prediction = jnp.sum(edge_feat_user * edge_feat_movie, axis=-1)
    prediction = jax.nn.sigmoid(prediction)
    return prediction

if __name__ == "__main__":
    import jax
    _d = setup_inputs()
    print(jax.jit(kernel)(*tuple(_d.values())))

</pallas_src>

<mosaic_0001>
#map = affine_map<(d0, d1) -> (0, 0)>
#map1 = affine_map<(d0, d1) -> (0)>
module attributes {stable_mosaic.version = 14 : i64} {
  func.func @sc_kernel(%arg0: i32, %arg1: i32, %arg2: memref<1000000x64xf32, #tpu.memory_space<hbm>>, %arg3: memref<1000000x64xf32, #tpu.memory_space<hbm>>, %arg4: memref<2097152xi32, #tpu.memory_space<hbm>>, %arg5: memref<1048576xf32, #tpu.memory_space<hbm>>, %arg6: memref<8192xi32, #tpu.memory_space<vmem>>, %arg7: memref<8192xi32, #tpu.memory_space<vmem>>, %arg8: memref<256x64xf32, #tpu.memory_space<vmem>>, %arg9: memref<256x64xf32, #tpu.memory_space<vmem>>, %arg10: memref<256x64xf32, #tpu.memory_space<vmem>>, %arg11: memref<256x64xf32, #tpu.memory_space<vmem>>, %arg12: memref<32768xf32, #tpu.memory_space<vmem>>, %arg13: memref<!tpu.dma_semaphore, #tpu.memory_space<semaphore_mem>>, %arg14: memref<!tpu.dma_semaphore, #tpu.memory_space<semaphore_mem>>, %arg15: memref<!tpu.dma_semaphore, #tpu.memory_space<semaphore_mem>>, %arg16: memref<!tpu.dma_semaphore, #tpu.memory_space<semaphore_mem>>) attributes {dimension_semantics = [#tpu.dimension_semantics<core_parallel>, #tpu.dimension_semantics<subcore_parallel>], iteration_bounds = array<i64: 2, 16>, scalar_prefetch = 0 : i64, scratch_operands = 11 : i64, tpu.core_type = #tpu.core_type<sc_vector_subcore>, window_params = [{transform_indices = #map}, {transform_indices = #map}, {transform_indices = #map1}, {transform_indices = #map1}]} {
    %mul3A = arith.constant 2 : i32
    %mul3A_0 = arith.muli %arg1, %mul3A : i32
    %add3A = arith.addi %mul3A_0, %arg0 : i32
    %mul3A_1 = arith.constant 32768 : i32
    %mul3A_2 = arith.muli %add3A, %mul3A_1 : i32
    %iota3A = tpu.iota {dimensions = array<i32: 0>} : vector<16xi32>
    %scan3A = arith.constant 0 : i32
    %scan3A_3 = arith.constant 0 : i32
    %scan3A_4 = arith.constant 4 : i32
    %scan3A_5 = arith.addi %scan3A_3, %scan3A_4 : i32
    %scan3A_6 = arith.constant 1 : i32
    scf.for %scan3A_8 = %scan3A_3 to %scan3A_5 step %scan3A_6  : i32 {
      %mul3A_9 = arith.constant 8192 : i32
      %mul3A_10 = arith.muli %scan3A_8, %mul3A_9 : i32
      %add3A_11 = arith.addi %mul3A_2, %mul3A_10 : i32
      %multiple_of3A = tpu.assume_multiple %add3A_11, 8192 : i32
      "tpu.region"() ({
        %run_scoped3A = tpu.sem_alloc : memref<!tpu.dma_semaphore, #tpu.memory_space<semaphore_mem>>
        %dma_start3A_29 = tpu.memref_slice %arg4[%multiple_of3A] : memref<2097152xi32, #tpu.memory_space<hbm>> -> memref<8192xi32, #tpu.memory_space<hbm>>
        %dma_start3A_30 = tpu.memref_slice %arg4[%multiple_of3A] : memref<2097152xi32, #tpu.memory_space<hbm>> -> memref<8192xi32, #tpu.memory_space<hbm>>
        tpu.enqueue_dma source(%dma_start3A_30 : memref<8192xi32, #tpu.memory_space<hbm>>) target(%arg6 : memref<8192xi32, #tpu.memory_space<vmem>>) target_semaphore(%run_scoped3A : memref<!tpu.dma_semaphore, #tpu.memory_space<semaphore_mem>>)
        %dma_wait3A = tpu.memref_slice %arg4[%multiple_of3A] : memref<2097152xi32, #tpu.memory_space<hbm>> -> memref<8192xi32, #tpu.memory_space<hbm>>
        %dma_wait3A_31 = tpu.memref_slice %arg4[%multiple_of3A] : memref<2097152xi32, #tpu.memory_space<hbm>> -> memref<8192xi32, #tpu.memory_space<hbm>>
        tpu.wait_dma2 semaphore(%run_scoped3A : memref<!tpu.dma_semaphore, #tpu.memory_space<semaphore_mem>>) src(%dma_wait3A_31 : memref<8192xi32, #tpu.memory_space<hbm>>) dst(%arg6 : memref<8192xi32, #tpu.memory_space<vmem>>)
        tpu.yield
      }) : () -> ()
      %add3A_12 = arith.constant 1048576 : i32
      %add3A_13 = arith.addi %multiple_of3A, %add3A_12 : i32
      "tpu.region"() ({
        %run_scoped3A = tpu.sem_alloc : memref<!tpu.dma_semaphore, #tpu.memory_space<semaphore_mem>>
        %dma_start3A_29 = tpu.memref_slice %arg4[%add3A_13] : memref<2097152xi32, #tpu.memory_space<hbm>> -> memref<8192xi32, #tpu.memory_space<hbm>>
        %dma_start3A_30 = tpu.memref_slice %arg4[%add3A_13] : memref<2097152xi32, #tpu.memory_space<hbm>> -> memref<8192xi32, #tpu.memory_space<hbm>>
        tpu.enqueue_dma source(%dma_start3A_30 : memref<8192xi32, #tpu.memory_space<hbm>>) target(%arg7 : memref<8192xi32, #tpu.memory_space<vmem>>) target_semaphore(%run_scoped3A : memref<!tpu.dma_semaphore, #tpu.memory_space<semaphore_mem>>)
        %dma_wait3A = tpu.memref_slice %arg4[%add3A_13] : memref<2097152xi32, #tpu.memory_space<hbm>> -> memref<8192xi32, #tpu.memory_space<hbm>>
        %dma_wait3A_31 = tpu.memref_slice %arg4[%add3A_13] : memref<2097152xi32, #tpu.memory_space<hbm>> -> memref<8192xi32, #tpu.memory_space<hbm>>
        tpu.wait_dma2 semaphore(%run_scoped3A : memref<!tpu.dma_semaphore, #tpu.memory_space<semaphore_mem>>) src(%dma_wait3A_31 : memref<8192xi32, #tpu.memory_space<hbm>>) dst(%arg7 : memref<8192xi32, #tpu.memory_space<vmem>>)
        tpu.yield
      }) : () -> ()
      %multiple_of3A_14 = arith.constant 0 : i32
      %multiple_of3A_15 = tpu.assume_multiple %multiple_of3A_14, 256 : i32
      %dma_start3A = tpu.memref_slice %arg6[%multiple_of3A_15] : memref<8192xi32, #tpu.memory_space<vmem>> -> memref<256xi32, #tpu.memory_space<vmem>>
      %dma_start3A_16 = arith.constant 0 : i32
      %dma_start3A_17 = arith.constant 0 : i32
      %dma_start3A_18 = tpu.memref_slice %arg2[%dma_start3A_16, %dma_start3A_17] : memref<1000000x64xf32, #tpu.memory_space<hbm>> -> memref<1000000x64xf32, #tpu.memory_space<hbm>>
      tpu.enqueue_indirect_dma source(%dma_start3A_18 : memref<1000000x64xf32, #tpu.memory_space<hbm>>) target(%arg8 : memref<256x64xf32, #tpu.memory_space<vmem>>) offsets(%dma_start3A : memref<256xi32, #tpu.memory_space<vmem>>) semaphore(%arg13 : memref<!tpu.dma_semaphore, #tpu.memory_space<semaphore_mem>>)
      %dma_start3A_19 = tpu.memref_slice %arg7[%multiple_of3A_15] : memref<8192xi32, #tpu.memory_space<vmem>> -> memref<256xi32, #tpu.memory_space<vmem>>
      %dma_start3A_20 = arith.constant 0 : i32
      %dma_start3A_21 = arith.constant 0 : i32
      %dma_start3A_22 = tpu.memref_slice %arg3[%dma_start3A_20, %dma_start3A_21] : memref<1000000x64xf32, #tpu.memory_space<hbm>> -> memref<1000000x64xf32, #tpu.memory_space<hbm>>
      tpu.enqueue_indirect_dma source(%dma_start3A_22 : memref<1000000x64xf32, #tpu.memory_space<hbm>>) target(%arg10 : memref<256x64xf32, #tpu.memory_space<vmem>>) offsets(%dma_start3A_19 : memref<256xi32, #tpu.memory_space<vmem>>) semaphore(%arg15 : memref<!tpu.dma_semaphore, #tpu.memory_space<semaphore_mem>>)
      %scan3A_23 = arith.constant 0 : i32
      %scan3A_24 = arith.constant 0 : i32
      %scan3A_25 = arith.constant 16 : i32
      %scan3A_26 = arith.addi %scan3A_24, %scan3A_25 : i32
      %scan3A_27 = arith.constant 1 : i32
      scf.for %scan3A_29 = %scan3A_24 to %scan3A_26 step %scan3A_27  : i32 {
        %mul3A_30 = arith.constant 2 : i32
        %mul3A_31 = arith.muli %scan3A_29, %mul3A_30 : i32
        %add3A_32 = arith.constant 1 : i32
        %add3A_33 = arith.addi %mul3A_31, %add3A_32 : i32
        %mul3A_34 = arith.constant 256 : i32
        %mul3A_35 = arith.muli %add3A_33, %mul3A_34 : i32
        %multiple_of3A_36 = tpu.assume_multiple %mul3A_35, 256 : i32
        %dma_start3A_37 = tpu.memref_slice %arg6[%multiple_of3A_36] : memref<8192xi32, #tpu.memory_space<vmem>> -> memref<256xi32, #tpu.memory_space<vmem>>
        %dma_start3A_38 = arith.constant 0 : i32
        %dma_start3A_39 = arith.constant 0 : i32
        %dma_start3A_40 = tpu.memref_slice %arg2[%dma_start3A_38, %dma_start3A_39] : memref<1000000x64xf32, #tpu.memory_space<hbm>> -> memref<1000000x64xf32, #tpu.memory_space<hbm>>
        tpu.enqueue_indirect_dma source(%dma_start3A_40 : memref<1000000x64xf32, #tpu.memory_space<hbm>>) target(%arg9 : memref<256x64xf32, #tpu.memory_space<vmem>>) offsets(%dma_start3A_37 : memref<256xi32, #tpu.memory_space<vmem>>) semaphore(%arg14 : memref<!tpu.dma_semaphore, #tpu.memory_space<semaphore_mem>>)
        %dma_start3A_41 = tpu.memref_slice %arg7[%multiple_of3A_36] : memref<8192xi32, #tpu.memory_space<vmem>> -> memref<256xi32, #tpu.memory_space<vmem>>
        %dma_start3A_42 = arith.constant 0 : i32
        %dma_start3A_43 = arith.constant 0 : i32
        %dma_start3A_44 = tpu.memref_slice %arg3[%dma_start3A_42, %dma_start3A_43] : memref<1000000x64xf32, #tpu.memory_space<hbm>> -> memref<1000000x64xf32, #tpu.memory_space<hbm>>
        tpu.enqueue_indirect_dma source(%dma_start3A_44 : memref<1000000x64xf32, #tpu.memory_space<hbm>>) target(%arg11 : memref<256x64xf32, #tpu.memory_space<vmem>>) offsets(%dma_start3A_41 : memref<256xi32, #tpu.memory_space<vmem>>) semaphore(%arg16 : memref<!tpu.dma_semaphore, #tpu.memory_space<semaphore_mem>>)
        %dma_wait3A = arith.constant 0 : i32
        %dma_wait3A_45 = arith.constant 0 : i32
        %dma_wait3A_46 = tpu.memref_slice %arg2[%dma_wait3A, %dma_wait3A_45] : memref<1000000x64xf32, #tpu.memory_space<hbm>> -> memref<256x64xf32, #tpu.memory_space<hbm>>
        %dma_wait3A_47 = arith.constant 0 : i32
        %dma_wait3A_48 = arith.constant 0 : i32
        %dma_wait3A_49 = tpu.memref_slice %arg2[%dma_wait3A_47, %dma_wait3A_48] : memref<1000000x64xf32, #tpu.memory_space<hbm>> -> memref<256x64xf32, #tpu.memory_space<hbm>>
        tpu.wait_dma2 semaphore(%arg13 : memref<!tpu.dma_semaphore, #tpu.memory_space<semaphore_mem>>) src(%dma_wait3A_49 : memref<256x64xf32, #tpu.memory_space<hbm>>) dst(%arg8 : memref<256x64xf32, #tpu.memory_space<vmem>>)
        %dma_wait3A_50 = arith.constant 0 : i32
        %dma_wait3A_51 = arith.constant 0 : i32
        %dma_wait3A_52 = tpu.memref_slice %arg3[%dma_wait3A_50, %dma_wait3A_51] : memref<1000000x64xf32, #tpu.memory_space<hbm>> -> memref<256x64xf32, #tpu.memory_space<hbm>>
        %dma_wait3A_53 = arith.constant 0 : i32
        %dma_wait3A_54 = arith.constant 0 : i32
        %dma_wait3A_55 = tpu.memref_slice %arg3[%dma_wait3A_53, %dma_wait3A_54] : memref<1000000x64xf32, #tpu.memory_space<hbm>> -> memref<256x64xf32, #tpu.memory_space<hbm>>
        tpu.wait_dma2 semaphore(%arg15 : memref<!tpu.dma_semaphore, #tpu.memory_space<semaphore_mem>>) src(%dma_wait3A_55 : memref<256x64xf32, #tpu.memory_space<hbm>>) dst(%arg10 : memref<256x64xf32, #tpu.memory_space<vmem>>)
        %mul3A_56 = arith.constant 8192 : i32
        %mul3A_57 = arith.muli %scan3A_8, %mul3A_56 : i32
        %mul3A_58 = arith.constant 256 : i32
        %mul3A_59 = arith.muli %mul3A_31, %mul3A_58 : i32
        %add3A_60 = arith.addi %mul3A_57, %mul3A_59 : i32
        %scan3A_61 = arith.constant 0 : i32
        %scan3A_62 = arith.constant 0 : i32
        %scan3A_63 = arith.constant 16 : i32
        %scan3A_64 = arith.addi %scan3A_62, %scan3A_63 : i32
        %scan3A_65 = arith.constant 1 : i32
        scf.for %scan3A_96 = %scan3A_62 to %scan3A_64 step %scan3A_65  : i32 {
          %mul3A_97 = arith.constant 16 : i32
          %mul3A_98 = arith.muli %scan3A_96, %mul3A_97 : i32
          %add3A_99 = arith.constant 0 : i32
          %add3A_100 = arith.addi %mul3A_98, %add3A_99 : i32
          %get3A = arith.index_cast %add3A_100 : i32 to index
          %get3A_101 = arith.constant 0 : index
          %get3A_102 = tpu.vector_load %arg8[%get3A, %get3A_101] {strides = array<i32>} : memref<256x64xf32, #tpu.memory_space<vmem>>, vector<16xf32>,
          %get3A_103 = arith.index_cast %add3A_100 : i32 to index
          %get3A_104 = arith.constant 0 : index
          %get3A_105 = tpu.vector_load %arg10[%get3A_103, %get3A_104] {strides = array<i32>} : memref<256x64xf32, #tpu.memory_space<vmem>>, vector<16xf32>,
          %mul3A_106 = arith.mulf %get3A_102, %get3A_105 : vector<16xf32>
          %get3A_107 = arith.index_cast %add3A_100 : i32 to index
          %get3A_108 = arith.constant 16 : index
          %get3A_109 = tpu.vector_load %arg8[%get3A_107, %get3A_108] {strides = array<i32>} : memref<256x64xf32, #tpu.memory_space<vmem>>, vector<16xf32>,
          %get3A_110 = arith.index_cast %add3A_100 : i32 to index
          %get3A_111 = arith.constant 16 : index
          %get3A_112 = tpu.vector_load %arg10[%get3A_110, %get3A_111] {strides = array<i32>} : memref<256x64xf32, #tpu.memory_space<vmem>>, vector<16xf32>,
          %mul3A_113 = arith.mulf %get3A_109, %get3A_112 : vector<16xf32>
          %add3A_114 = arith.addf %mul3A_106, %mul3A_113 : vector<16xf32>
          %get3A_115 = arith.index_cast %add3A_100 : i32 to index
          %get3A_116 = arith.constant 32 : index
          %get3A_117 = tpu.vector_load %arg8[%get3A_115, %get3A_116] {strides = array<i32>} : memref<256x64xf32, #tpu.memory_space<vmem>>, vector<16xf32>,
          %get3A_118 = arith.index_cast %add3A_100 : i32 to index
          %get3A_119 = arith.constant 32 : index
          %get3A_120 = tpu.vector_load %arg10[%get3A_118, %get3A_119] {strides = array<i32>} : memref<256x64xf32, #tpu.memory_space<vmem>>, vector<16xf32>,
          %mul3A_121 = arith.mulf %get3A_117, %get3A_120 : vector<16xf32>
          %add3A_122 = arith.addf %add3A_114, %mul3A_121 : vector<16xf32>
          %get3A_123 = arith.index_cast %add3A_100 : i32 to index
          %get3A_124 = arith.constant 48 : index
          %get3A_125 = tpu.vector_load %arg8[%get3A_123, %get3A_124] {strides = array<i32>} : memref<256x64xf32, #tpu.memory_space<vmem>>, vector<16xf32>,
          %get3A_126 = arith.index_cast %add3A_100 : i32 to index
          %get3A_127 = arith.constant 48 : index
          %get3A_128 = tpu.vector_load %arg10[%get3A_126, %get3A_127] {strides = array<i32>} : memref<256x64xf32, #tpu.memory_space<vmem>>, vector<16xf32>,
          %mul3A_129 = arith.mulf %get3A_125, %get3A_128 : vector<16xf32>
          %add3A_130 = arith.addf %add3A_122, %mul3A_129 : vector<16xf32>
          %broadcast_in_dim3A = arith.constant true
          %broadcast_in_dim3A_131 = vector.broadcast %broadcast_in_dim3A : i1 to vector<16xi1>
          %masked_cumsum3A = tpu.scan <sum>, %add3A_130 masked %broadcast_in_dim3A_131 : vector<16xf32>, vector<16xi1> -> vector<16xf32>
          %mul3A_132 = arith.constant 16 : i32
          %mul3A_133 = arith.muli %scan3A_96, %mul3A_132 : i32
          %add3A_134 = arith.addi %add3A_60, %mul3A_133 : i32
          %add3A_135 = arith.constant 0 : i32
          %add3A_136 = arith.addi %add3A_134, %add3A_135 : i32
          %broadcast_in_dim3A_137 = vector.broadcast %add3A_136 : i32 to vector<16xi32>
          %eq3A = arith.constant 15 : i32
          %eq3A_138 = vector.broadcast %eq3A : i32 to vector<16xi32>
          %eq3A_139 = arith.cmpi eq, %iota3A, %eq3A_138 : vector<16xi32>
          tpu.vector_store_idx %arg12[%broadcast_in_dim3A_137], %masked_cumsum3A masked %eq3A_139 : memref<32768xf32, #tpu.memory_space<vmem>>[vector<16xi32>], vector<16xf32>, vector<16xi1>
          %mul3A_140 = arith.constant 16 : i32
          %mul3A_141 = arith.muli %scan3A_96, %mul3A_140 : i32
          %add3A_142 = arith.constant 1 : i32
          %add3A_143 = arith.addi %mul3A_141, %add3A_142 : i32
          %get3A_144 = arith.index_cast %add3A_143 : i32 to index
          %get3A_145 = arith.constant 0 : index
          %get3A_146 = tpu.vector_load %arg8[%get3A_144, %get3A_145] {strides = array<i32>} : memref<256x64xf32, #tpu.memory_space<vmem>>, vector<16xf32>,
          %get3A_147 = arith.index_cast %add3A_143 : i32 to index
          %get3A_148 = arith.constant 0 : index
          %get3A_149 = tpu.vector_load %arg10[%get3A_147, %get3A_148] {strides = array<i32>} : memref<256x64xf32, #tpu.memory_space<vmem>>, vector<16xf32>,
          %mul3A_150 = arith.mulf %get3A_146, %get3A_149 : vector<16xf32>
          %get3A_151 = arith.index_cast %add3A_143 : i32 to index
          %get3A_152 = arith.constant 16 : index
          %get3A_153 = tpu.vector_load %arg8[%get3A_151, %get3A_152] {strides = array<i32>} : memref<256x64xf32, #tpu.memory_space<vmem>>, vector<16xf32>,
          %get3A_154 = arith.index_cast %add3A_143 : i32 to index
          %get3A_155 = arith.constant 16 : index
          %get3A_156 = tpu.vector_load %arg10[%get3A_154, %get3A_155] {strides = array<i32>} : memref<256x64xf32, #tpu.memory_space<vmem>>, vector<16xf32>,
          %mul3A_157 = arith.mulf %get3A_153, %get3A_156 : vector<16xf32>
          %add3A_158 = arith.addf %mul3A_150, %mul3A_157 : vector<16xf32>
          %get3A_159 = arith.index_cast %add3A_143 : i32 to index
          %get3A_160 = arith.constant 32 : index
          %get3A_161 = tpu.vector_load %arg8[%get3A_159, %get3A_160] {strides = array<i32>} : memref<256x64xf32, #tpu.memory_space<vmem>>, vector<16xf32>,
          %get3A_162 = arith.index_cast %add3A_143 : i32 to index
          %get3A_163 = arith.constant 32 : index
          %get3A_164 = tpu.vector_load %arg10[%get3A_162, %get3A_163] {strides = array<i32>} : memref<256x64xf32, #tpu.memory_space<vmem>>, vector<16xf32>,
          %mul3A_165 = arith.mulf %get3A_161, %get3A_164 : vector<16xf32>
          %add3A_166 = arith.addf %add3A_158, %mul3A_165 : vector<16xf32>
          %get3A_167 = arith.index_cast %add3A_143 : i32 to index
          %get3A_168 = arith.constant 48 : index
          %get3A_169 = tpu.vector_load %arg8[%get3A_167, %get3A_168] {strides = array<i32>} : memref<256x64xf32, #tpu.memory_space<vmem>>, vector<16xf32>,
          %get3A_170 = arith.index_cast %add3A_143 : i32 to index
          %get3A_171 = arith.constant 48 : index
          %get3A_172 = tpu.vector_load %arg10[%get3A_170, %get3A_171] {strides = array<i32>} : memref<256x64xf32, #tpu.memory_space<vmem>>, vector<16xf32>,
          %mul3A_173 = arith.mulf %get3A_169, %get3A_172 : vector<16xf32>
          %add3A_174 = arith.addf %add3A_166, %mul3A_173 : vector<16xf32>
          %broadcast_in_dim3A_175 = arith.constant true
          %broadcast_in_dim3A_176 = vector.broadcast %broadcast_in_dim3A_175 : i1 to vector<16xi1>
          %masked_cumsum3A_177 = tpu.scan <sum>, %add3A_174 masked %broadcast_in_dim3A_176 : vector<16xf32>, vector<16xi1> -> vector<16xf32>
          %mul3A_178 = arith.constant 16 : i32
          %mul3A_179 = arith.muli %scan3A_96, %mul3A_178 : i32
          %add3A_180 = arith.addi %add3A_60, %mul3A_179 : i32
          %add3A_181 = arith.constant 1 : i32
          %add3A_182 = arith.addi %add3A_180, %add3A_181 : i32
          %broadcast_in_dim3A_183 = vector.broadcast %add3A_182 : i32 to vector<16xi32>
          %eq3A_184 = arith.constant 15 : i32
          %eq3A_185 = vector.broadcast %eq3A_184 : i32 to vector<16xi32>
          %eq3A_186 = arith.cmpi eq, %iota3A, %eq3A_185 : vector<16xi32>
          tpu.vector_store_idx %arg12[%broadcast_in_dim3A_183], %masked_cumsum3A_177 masked %eq3A_186 : memref<32768xf32, #tpu.memory_space<vmem>>[vector<16xi32>], vector<16xf32>, vector<16xi1>
          %mul3A_187 = arith.constant 16 : i32
          %mul3A_188 = arith.muli %scan3A_96, %mul3A_187 : i32
          %add3A_189 = arith.constant 2 : i32
          %add3A_190 = arith.addi %mul3A_188, %add3A_189 : i32
          %get3A_191 = arith.index_cast %add3A_190 : i32 to index
          %get3A_192 = arith.constant 0 : index
          %get3A_193 = tpu.vector_load %arg8[%get3A_191, %get3A_192] {strides = array<i32>} : memref<256x64xf32, #tpu.memory_space<vmem>>, vector<16xf32>,
          %get3A_194 = arith.index_cast %add3A_190 : i32 to index
          %get3A_195 = arith.constant 0 : index
          %get3A_196 = tpu.vector_load %arg10[%get3A_194, %get3A_195] {strides = array<i32>} : memref<256x64xf32, #tpu.memory_space<vmem>>, vector<16xf32>,
          %mul3A_197 = arith.mulf %get3A_193, %get3A_196 : vector<16xf32>
          %get3A_198 = arith.index_cast %add3A_190 : i32 to index
          %get3A_199 = arith.constant 16 : index
          %get3A_200 = tpu.vector_load %arg8[%get3A_198, %get3A_199] {strides = array<i32>} : memref<256x64xf32, #tpu.memory_space<vmem>>, vector<16xf32>,
          %get3A_201 = arith.index_cast %add3A_190 : i32 to index
          %get3A_202 = arith.constant 16 : index
          %get3A_203 = tpu.vector_load %arg10[%get3A_201, %get3A_202] {strides = array<i32>} : memref<256x64xf32, #tpu.memory_space<vmem>>, vector<16xf32>,
          %mul3A_204 = arith.mulf %get3A_200, %get3A_203 : vector<16xf32>
          %add3A_205 = arith.addf %mul3A_197, %mul3A_204 : vector<16xf32>
          %get3A_206 = arith.index_cast %add3A_190 : i32 to index
          %get3A_207 = arith.constant 32 : index
          %get3A_208 = tpu.vector_load %arg8[%get3A_206, %get3A_207] {strides = array<i32>} : memref<256x64xf32, #tpu.memory_space<vmem>>, vector<16xf32>,
          %get3A_209 = arith.index_cast %add3A_190 : i32 to index
          %get3A_210 = arith.constant 32 : index
          %get3A_211 = tpu.vector_load %arg10[%get3A_209, %get3A_210] {strides = array<i32>} : memref<256x64xf32, #tpu.memory_space<vmem>>, vector<16xf32>,
          %mul3A_212 = arith.mulf %get3A_208, %get3A_211 : vector<16xf32>
          %add3A_213 = arith.addf %add3A_205, %mul3A_212 : vector<16xf32>
          %get3A_214 = arith.index_cast %add3A_190 : i32 to index
          %get3A_215 = arith.constant 48 : index
          %get3A_216 = tpu.vector_load %arg8[%get3A_214, %get3A_215] {strides = array<i32>} : memref<256x64xf32, #tpu.memory_space<vmem>>, vector<16xf32>,
          %get3A_217 = arith.index_cast %add3A_190 : i32 to index
          %get3A_218 = arith.constant 48 : index
          %get3A_219 = tpu.vector_load %arg10[%get3A_217, %get3A_218] {strides = array<i32>} : memref<256x64xf32, #tpu.memory_space<vmem>>, vector<16xf32>,
          %mul3A_220 = arith.mulf %get3A_216, %get3A_219 : vector<16xf32>
          %add3A_221 = arith.addf %add3A_213, %mul3A_220 : vector<16xf32>
          %broadcast_in_dim3A_222 = arith.constant true
          %broadcast_in_dim3A_223 = vector.broadcast %broadcast_in_dim3A_222 : i1 to vector<16xi1>
          %masked_cumsum3A_224 = tpu.scan <sum>, %add3A_221 masked %broadcast_in_dim3A_223 : vector<16xf32>, vector<16xi1> -> vector<16xf32>
          %mul3A_225 = arith.constant 16 : i32
          %mul3A_226 = arith.muli %scan3A_96, %mul3A_225 : i32
          %add3A_227 = arith.addi %add3A_60, %mul3A_226 : i32
          %add3A_228 = arith.constant 2 : i32
          %add3A_229 = arith.addi %add3A_227, %add3A_228 : i32
          %broadcast_in_dim3A_230 = vector.broadcast %add3A_229 : i32 to vector<16xi32>
          %eq3A_231 = arith.constant 15 : i32
          %eq3A_232 = vector.broadcast %eq3A_231 : i32 to vector<16xi32>
          %eq3A_233 = arith.cmpi eq, %iota3A, %eq3A_232 : vector<16xi32>
          tpu.vector_store_idx %arg12[%broadcast_in_dim3A_230], %masked_cumsum3A_224 masked %eq3A_233 : memref<32768xf32, #tpu.memory_space<vmem>>[vector<16xi32>], vector<16xf32>, vector<16xi1>
          %mul3A_234 = arith.constant 16 : i32
          %mul3A_235 = arith.muli %scan3A_96, %mul3A_234 : i32
          %add3A_236 = arith.constant 3 : i32
          %add3A_237 = arith.addi %mul3A_235, %add3A_236 : i32
          %get3A_238 = arith.index_cast %add3A_237 : i32 to index
          %get3A_239 = arith.constant 0 : index
          %get3A_240 = tpu.vector_load %arg8[%get3A_238, %get3A_239] {strides = array<i32>} : memref<256x64xf32, #tpu.memory_space<vmem>>, vector<16xf32>,
          %get3A_241 = arith.index_cast %add3A_237 : i32 to index
          %get3A_242 = arith.constant 0 : index
          %get3A_243 = tpu.vector_load %arg10[%get3A_241, %get3A_242] {strides = array<i32>} : memref<256x64xf32, #tpu.memory_space<vmem>>, vector<16xf32>,
          %mul3A_244 = arith.mulf %get3A_240, %get3A_243 : vector<16xf32>
          %get3A_245 = arith.index_cast %add3A_237 : i32 to index
          %get3A_246 = arith.constant 16 : index
          %get3A_247 = tpu.vector_load %arg8[%get3A_245, %get3A_246] {strides = array<i32>} : memref<256x64xf32, #tpu.memory_space<vmem>>, vector<16xf32>,
          %get3A_248 = arith.index_cast %add3A_237 : i32 to index
          %get3A_249 = arith.constant 16 : index
          %get3A_250 = tpu.vector_load %arg10[%get3A_248, %get3A_249] {strides = array<i32>} : memref<256x64xf32, #tpu.memory_space<vmem>>, vector<16xf32>,
          %mul3A_251 = arith.mulf %get3A_247, %get3A_250 : vector<16xf32>
          %add3A_252 = arith.addf %mul3A_244, %mul3A_251 : vector<16xf32>
          %get3A_253 = arith.index_cast %add3A_237 : i32 to index
          %get3A_254 = arith.constant 32 : index
          %get3A_255 = tpu.vector_load %arg8[%get3A_253, %get3A_254] {strides = array<i32>} : memref<256x64xf32, #tpu.memory_space<vmem>>, vector<16xf32>,
          %get3A_256 = arith.index_cast %add3A_237 : i32 to index
          %get3A_257 = arith.constant 32 : index
          %get3A_258 = tpu.vector_load %arg10[%get3A_256, %get3A_257] {strides = array<i32>} : memref<256x64xf32, #tpu.memory_space<vmem>>, vector<16xf32>,
          %mul3A_259 = arith.mulf %get3A_255, %get3A_258 : vector<16xf32>
          %add3A_260 = arith.addf %add3A_252, %mul3A_259 : vector<16xf32>
          %get3A_261 = arith.index_cast %add3A_237 : i32 to index
          %get3A_262 = arith.constant 48 : index
          %get3A_263 = tpu.vector_load %arg8[%get3A_261, %get3A_262] {strides = array<i32>} : memref<256x64xf32, #tpu.memory_space<vmem>>, vector<16xf32>,
          %get3A_264 = arith.index_cast %add3A_237 : i32 to index
          %get3A_265 = arith.constant 48 : index
          %get3A_266 = tpu.vector_load %arg10[%get3A_264, %get3A_265] {strides = array<i32>} : memref<256x64xf32, #tpu.memory_space<vmem>>, vector<16xf32>,
          %mul3A_267 = arith.mulf %get3A_263, %get3A_266 : vector<16xf32>
          %add3A_268 = arith.addf %add3A_260, %mul3A_267 : vector<16xf32>
          %broadcast_in_dim3A_269 = arith.constant true
          %broadcast_in_dim3A_270 = vector.broadcast %broadcast_in_dim3A_269 : i1 to vector<16xi1>
          %masked_cumsum3A_271 = tpu.scan <sum>, %add3A_268 masked %broadcast_in_dim3A_270 : vector<16xf32>, vector<16xi1> -> vector<16xf32>
          %mul3A_272 = arith.constant 16 : i32
          %mul3A_273 = arith.muli %scan3A_96, %mul3A_272 : i32
          %add3A_274 = arith.addi %add3A_60, %mul3A_273 : i32
          %add3A_275 = arith.constant 3 : i32
          %add3A_276 = arith.addi %add3A_274, %add3A_275 : i32
          %broadcast_in_dim3A_277 = vector.broadcast %add3A_276 : i32 to vector<16xi32>
          %eq3A_278 = arith.constant 15 : i32
          %eq3A_279 = vector.broadcast %eq3A_278 : i32 to vector<16xi32>
          %eq3A_280 = arith.cmpi eq, %iota3A, %eq3A_279 : vector<16xi32>
          tpu.vector_store_idx %arg12[%broadcast_in_dim3A_277], %masked_cumsum3A_271 masked %eq3A_280 : memref<32768xf32, #tpu.memory_space<vmem>>[vector<16xi32>], vector<16xf32>, vector<16xi1>
          %mul3A_281 = arith.constant 16 : i32
          %mul3A_282 = arith.muli %scan3A_96, %mul3A_281 : i32
          %add3A_283 = arith.constant 4 : i32
          %add3A_284 = arith.addi %mul3A_282, %add3A_283 : i32
          %get3A_285 = arith.index_cast %add3A_284 : i32 to index
          %get3A_286 = arith.constant 0 : index
          %get3A_287 = tpu.vector_load %arg8[%get3A_285, %get3A_286] {strides = array<i32>} : memref<256x64xf32, #tpu.memory_space<vmem>>, vector<16xf32>,
          %get3A_288 = arith.index_cast %add3A_284 : i32 to index
          %get3A_289 = arith.constant 0 : index
          %get3A_290 = tpu.vector_load %arg10[%get3A_288, %get3A_289] {strides = array<i32>} : memref<256x64xf32, #tpu.memory_space<vmem>>, vector<16xf32>,
          %mul3A_291 = arith.mulf %get3A_287, %get3A_290 : vector<16xf32>
          %get3A_292 = arith.index_cast %add3A_284 : i32 to index
          %get3A_293 = arith.constant 16 : index
          %get3A_294 = tpu.vector_load %arg8[%get3A_292, %get3A_293] {strides = array<i32>} : memref<256x64xf32, #tpu.memory_space<vmem>>, vector<16xf32>,
          %get3A_295 = arith.index_cast %add3A_284 : i32 to index
          %get3A_296 = arith.constant 16 : index
          %get3A_297 = tpu.vector_load %arg10[%get3A_295, %get3A_296] {strides = array<i32>} : memref<256x64xf32, #tpu.memory_space<vmem>>, vector<16xf32>,
          %mul3A_298 = arith.mulf %get3A_294, %get3A_297 : vector<16xf32>
          %add3A_299 = arith.addf %mul3A_291, %mul3A_298 : vector<16xf32>
          %get3A_300 = arith.index_cast %add3A_284 : i32 to index
          %get3A_301 = arith.constant 32 : index
          %get3A_302 = tpu.vector_load %arg8[%get3A_300, %get3A_301] {strides = array<i32>} : memref<256x64xf32, #tpu.memory_space<vmem>>, vector<16xf32>,
          %get3A_303 = arith.index_cast %add3A_284 : i32 to index
          %get3A_304 = arith.constant 32 : index
          %get3A_305 = tpu.vector_load %arg10[%get3A_303, %get3A_304] {strides = array<i32>} : memref<256x64xf32, #tpu.memory_space<vmem>>, vector<16xf32>,
          %mul3A_306 = arith.mulf %get3A_302, %get3A_305 : vector<16xf32>
          %add3A_307 = arith.addf %add3A_299, %mul3A_306 : vector<16xf32>
          %get3A_308 = arith.index_cast %add3A_284 : i32 to index
          %get3A_309 = arith.constant 48 : index
          %get3A_310 = tpu.vector_load %arg8[%get3A_308, %get3A_309] {strides = array<i32>} : memref<256x64xf32, #tpu.memory_space<vmem>>, vector<16xf32>,
          %get3A_311 = arith.index_cast %add3A_284 : i32 to index
          %get3A_312 = arith.constant 48 : index
          %get3A_313 = tpu.vector_load %arg10[%get3A_311, %get3A_312] {strides = array<i32>} : memref<256x64xf32, #tpu.memory_space<vmem>>, vector<16xf32>,
          %mul3A_314 = arith.mulf %get3A_310, %get3A_313 : vector<16xf32>
          %add3A_315 = arith.addf %add3A_307, %mul3A_314 : vector<16xf32>
          %broadcast_in_dim3A_316 = arith.constant true
          %broadcast_in_dim3A_317 = vector.broadcast %broadcast_in_dim3A_316 : i1 to vector<16xi1>
          %masked_cumsum3A_318 = tpu.scan <sum>, %add3A_315 masked %broadcast_in_dim3A_317 : vector<16xf32>, vector<16xi1> -> vector<16xf32>
          %mul3A_319 = arith.constant 16 : i32
          %mul3A_320 = arith.muli %scan3A_96, %mul3A_319 : i32
          %add3A_321 = arith.addi %add3A_60, %mul3A_320 : i32
          %add3A_322 = arith.constant 4 : i32
          %add3A_323 = arith.addi %add3A_321, %add3A_322 : i32
          %broadcast_in_dim3A_324 = vector.broadcast %add3A_323 : i32 to vector<16xi32>
          %eq3A_325 = arith.constant 15 : i32
          %eq3A_326 = vector.broadcast %eq3A_325 : i32 to vector<16xi32>
          %eq3A_327 = arith.cmpi eq, %iota3A, %eq3A_326 : vector<16xi32>
          tpu.vector_store_idx %arg12[%broadcast_in_dim3A_324], %masked_cumsum3A_318 masked %eq3A_327 : memref<32768xf32, #tpu.memory_space<vmem>>[vector<16xi32>], vector<16xf32>, vector<16xi1>
          %mul3A_328 = arith.constant 16 : i32
          %mul3A_329 = arith.muli %scan3A_96, %mul3A_328 : i32
          %add3A_330 = arith.constant 5 : i32
          %add3A_331 = arith.addi %mul3A_329, %add3A_330 : i32
          %get3A_332 = arith.index_cast %add3A_331 : i32 to index
          %get3A_333 = arith.constant 0 : index
          %get3A_334 = tpu.vector_load %arg8[%get3A_332, %get3A_333] {strides = array<i32>} : memref<256x64xf32, #tpu.memory_space<vmem>>, vector<16xf32>,
          %get3A_335 = arith.index_cast %add3A_331 : i32 to index
          %get3A_336 = arith.constant 0 : index
          %get3A_337 = tpu.vector_load %arg10[%get3A_335, %get3A_336] {strides = array<i32>} : memref<256x64xf32, #tpu.memory_space<vmem>>, vector<16xf32>,
          %mul3A_338 = arith.mulf %get3A_334, %get3A_337 : vector<16xf32>
          %get3A_339 = arith.index_cast %add3A_331 : i32 to index
          %get3A_340 = arith.constant 16 : index
          %get3A_341 = tpu.vector_load %arg8[%get3A_339, %get3A_340] {strides = array<i32>} : memref<256x64xf32, #tpu.memory_space<vmem>>, vector<16xf32>,
          %get3A_342 = arith.index_cast %add3A_331 : i32 to index
          %get3A_343 = arith.constant 16 : index
          %get3A_344 = tpu.vector_load %arg10[%get3A_342, %get3A_343] {strides = array<i32>} : memref<256x64xf32, #tpu.memory_space<vmem>>, vector<16xf32>,
          %mul3A_345 = arith.mulf %get3A_341, %get3A_344 : vector<16xf32>
          %add3A_346 = arith.addf %mul3A_338, %mul3A_345 : vector<16xf32>
          %get3A_347 = arith.index_cast %add3A_331 : i32 to index
          %get3A_348 = arith.constant 32 : index
          %get3A_349 = tpu.vector_load %arg8[%get3A_347, %get3A_348] {strides = array<i32>} : memref<256x64xf32, #tpu.memory_space<vmem>>, vector<16xf32>,
          %get3A_350 = arith.index_cast %add3A_331 : i32 to index
          %get3A_351 = arith.constant 32 : index
          %get3A_352 = tpu.vector_load %arg10[%get3A_350, %get3A_351] {strides = array<i32>} : memref<256x64xf32, #tpu.memory_space<vmem>>, vector<16xf32>,
          %mul3A_353 = arith.mulf %get3A_349, %get3A_352 : vector<16xf32>
          %add3A_354 = arith.addf %add3A_346, %mul3A_353 : vector<16xf32>
          %get3A_355 = arith.index_cast %add3A_331 : i32 to index
          %get3A_356 = arith.constant 48 : index
          %get3A_357 = tpu.vector_load %arg8[%get3A_355, %get3A_356] {strides = array<i32>} : memref<256x64xf32, #tpu.memory_space<vmem>>, vector<16xf32>,
          %get3A_358 = arith.index_cast %add3A_331 : i32 to index
          %get3A_359 = arith.constant 48 : index
          %get3A_360 = tpu.vector_load %arg10[%get3A_358, %get3A_359] {strides = array<i32>} : memref<256x64xf32, #tpu.memory_space<vmem>>, vector<16xf32>,
          %mul3A_361 = arith.mulf %get3A_357, %get3A_360 : vector<16xf32>
          %add3A_362 = arith.addf %add3A_354, %mul3A_361 : vector<16xf32>
          %broadcast_in_dim3A_363 = arith.constant true
          %broadcast_in_dim3A_364 = vector.broadcast %broadcast_in_dim3A_363 : i1 to vector<16xi1>
          %masked_cumsum3A_365 = tpu.scan <sum>, %add3A_362 masked %broadcast_in_dim3A_364 : vector<16xf32>, vector<16xi1> -> vector<16xf32>
          %mul3A_366 = arith.constant 16 : i32
          %mul3A_367 = arith.muli %scan3A_96, %mul3A_366 : i32
          %add3A_368 = arith.addi %add3A_60, %mul3A_367 : i32
          %add3A_369 = arith.constant 5 : i32
          %add3A_370 = arith.addi %add3A_368, %add3A_369 : i32
          %broadcast_in_dim3A_371 = vector.broadcast %add3A_370 : i32 to vector<16xi32>
          %eq3A_372 = arith.constant 15 : i32
          %eq3A_373 = vector.broadcast %eq3A_372 : i32 to vector<16xi32>
          %eq3A_374 = arith.cmpi eq, %iota3A, %eq3A_373 : vector<16xi32>
          tpu.vector_store_idx %arg12[%broadcast_in_dim3A_371], %masked_cumsum3A_365 masked %eq3A_374 : memref<32768xf32, #tpu.memory_space<vmem>>[vector<16xi32>], vector<16xf32>, vector<16xi1>
          %mul3A_375 = arith.constant 16 : i32
          %mul3A_376 = arith.muli %scan3A_96, %mul3A_375 : i32
          %add3A_377 = arith.constant 6 : i32
          %add3A_378 = arith.addi %mul3A_376, %add3A_377 : i32
          %get3A_379 = arith.index_cast %add3A_378 : i32 to index
          %get3A_380 = arith.constant 0 : index
          %get3A_381 = tpu.vector_load %arg8[%get3A_379, %get3A_380] {strides = array<i32>} : memref<256x64xf32, #tpu.memory_space<vmem>>, vector<16xf32>,
          %get3A_382 = arith.index_cast %add3A_378 : i32 to index
          %get3A_383 = arith.constant 0 : index
          %get3A_384 = tpu.vector_load %arg10[%get3A_382, %get3A_383] {strides = array<i32>} : memref<256x64xf32, #tpu.memory_space<vmem>>, vector<16xf32>,
          %mul3A_385 = arith.mulf %get3A_381, %get3A_384 : vector<16xf32>
          %get3A_386 = arith.index_cast %add3A_378 : i32 to index
          %get3A_387 = arith.constant 16 : index
          %get3A_388 = tpu.vector_load %arg8[%get3A_386, %get3A_387] {strides = array<i32>} : memref<256x64xf32, #tpu.memory_space<vmem>>, vector<16xf32>,
          %get3A_389 = arith.index_cast %add3A_378 : i32 to index
          %get3A_390 = arith.constant 16 : index
          %get3A_391 = tpu.vector_load %arg10[%get3A_389, %get3A_390] {strides = array<i32>} : memref<256x64xf32, #tpu.memory_space<vmem>>, vector<16xf32>,
          %mul3A_392 = arith.mulf %get3A_388, %get3A_391 : vector<16xf32>
          %add3A_393 = arith.addf %mul3A_385, %mul3A_392 : vector<16xf32>
          %get3A_394 = arith.index_cast %add3A_378 : i32 to index
          %get3A_395 = arith.constant 32 : index
          %get3A_396 = tpu.vector_load %arg8[%get3A_394, %get3A_395] {strides = array<i32>} : memref<256x64xf32, #tpu.memory_space<vmem>>, vector<16xf32>,
          %get3A_397 = arith.index_cast %add3A_378 : i32 to index
          %get3A_398 = arith.constant 32 : index
          %get3A_399 = tpu.vector_load %arg10[%get3A_397, %get3A_398] {strides = array<i32>} : memref<256x64xf32, #tpu.memory_space<vmem>>, vector<16xf32>,
          %mul3A_400 = arith.mulf %get3A_396, %get3A_399 : vector<16xf32>
          %add3A_401 = arith.addf %add3A_393, %mul3A_400 : vector<16xf32>
          %get3A_402 = arith.index_cast %add3A_378 : i32 to index
          %get3A_403 = arith.constant 48 : index
          %get3A_404 = tpu.vector_load %arg8[%get3A_402, %get3A_403] {strides = array<i32>} : memref<256x64xf32, #tpu.memory_space<vmem>>, vector<16xf32>,
          %get3A_405 = arith.index_cast %add3A_378 : i32 to index
          %get3A_406 = arith.constant 48 : index
          %get3A_407 = tpu.vector_load %arg10[%get3A_405, %get3A_406] {strides = array<i32>} : memref<256x64xf32, #tpu.memory_space<vmem>>, vector<16xf32>,
          %mul3A_408 = arith.mulf %get3A_404, %get3A_407 : vector<16xf32>
          %add3A_409 = arith.addf %add3A_401, %mul3A_408 : vector<16xf32>
          %broadcast_in_dim3A_410 = arith.constant true
          %broadcast_in_dim3A_411 = vector.broadcast %broadcast_in_dim3A_410 : i1 to vector<16xi1>
          %masked_cumsum3A_412 = tpu.scan <sum>, %add3A_409 masked %broadcast_in_dim3A_411 : vector<16xf32>, vector<16xi1> -> vector<16xf32>
          %mul3A_413 = arith.constant 16 : i32
          %mul3A_414 = arith.muli %scan3A_96, %mul3A_413 : i32
          %add3A_415 = arith.addi %add3A_60, %mul3A_414 : i32
          %add3A_416 = arith.constant 6 : i32
          %add3A_417 = arith.addi %add3A_415, %add3A_416 : i32
          %broadcast_in_dim3A_418 = vector.broadcast %add3A_417 : i32 to vector<16xi32>
          %eq3A_419 = arith.constant 15 : i32
          %eq3A_420 = vector.broadcast %eq3A_419 : i32 to vector<16xi32>
          %eq3A_421 = arith.cmpi eq, %iota3A, %eq3A_420 : vector<16xi32>
          tpu.vector_store_idx %arg12[%broadcast_in_dim3A_418], %masked_cumsum3A_412 masked %eq3A_421 : memref<32768xf32, #tpu.memory_space<vmem>>[vector<16xi32>], vector<16xf32>, vector<16xi1>
          %mul3A_422 = arith.constant 16 : i32
          %mul3A_423 = arith.muli %scan3A_96, %mul3A_422 : i32
          %add3A_424 = arith.constant 7 : i32
          %add3A_425 = arith.addi %mul3A_423, %add3A_424 : i32
          %get3A_426 = arith.index_cast %add3A_425 : i32 to index
          %get3A_427 = arith.constant 0 : index
          %get3A_428 = tpu.vector_load %arg8[%get3A_426, %get3A_427] {strides = array<i32>} : memref<256x64xf32, #tpu.memory_space<vmem>>, vector<16xf32>,
          %get3A_429 = arith.index_cast %add3A_425 : i32 to index
          %get3A_430 = arith.constant 0 : index
          %get3A_431 = tpu.vector_load %arg10[%get3A_429, %get3A_430] {strides = array<i32>} : memref<256x64xf32, #tpu.memory_space<vmem>>, vector<16xf32>,
          %mul3A_432 = arith.mulf %get3A_428, %get3A_431 : vector<16xf32>
          %get3A_433 = arith.index_cast %add3A_425 : i32 to index
          %get3A_434 = arith.constant 16 : index
          %get3A_435 = tpu.vector_load %arg8[%get3A_433, %get3A_434] {strides = array<i32>} : memref<256x64xf32, #tpu.memory_space<vmem>>, vector<16xf32>,
          %get3A_436 = arith.index_cast %add3A_425 : i32 to index
          %get3A_437 = arith.constant 16 : index
          %get3A_438 = tpu.vector_load %arg10[%get3A_436, %get3A_437] {strides = array<i32>} : memref<256x64xf32, #tpu.memory_space<vmem>>, vector<16xf32>,
          %mul3A_439 = arith.mulf %get3A_435, %get3A_438 : vector<16xf32>
          %add3A_440 = arith.addf %mul3A_432, %mul3A_439 : vector<16xf32>
          %get3A_441 = arith.index_cast %add3A_425 : i32 to index
          %get3A_442 = arith.constant 32 : index
          %get3A_443 = tpu.vector_load %arg8[%get3A_441, %get3A_442] {strides = array<i32>} : memref<256x64xf32, #tpu.memory_space<vmem>>, vector<16xf32>,
          %get3A_444 = arith.index_cast %add3A_425 : i32 to index
          %get3A_445 = arith.constant 32 : index
          %get3A_446 = tpu.vector_load %arg10[%get3A_444, %get3A_445] {strides = array<i32>} : memref<256x64xf32, #tpu.memory_space<vmem>>, vector<16xf32>,
          %mul3A_447 = arith.mulf %get3A_443, %get3A_446 : vector<16xf32>
          %add3A_448 = arith.addf %add3A_440, %mul3A_447 : vector<16xf32>
          %get3A_449 = arith.index_cast %add3A_425 : i32 to index
          %get3A_450 = arith.constant 48 : index
          %get3A_451 = tpu.vector_load %arg8[%get3A_449, %get3A_450] {strides = array<i32>} : memref<256x64xf32, #tpu.memory_space<vmem>>, vector<16xf32>,
          %get3A_452 = arith.index_cast %add3A_425 : i32 to index
          %get3A_453 = arith.constant 48 : index
          %get3A_454 = tpu.vector_load %arg10[%get3A_452, %get3A_453] {strides = array<i32>} : memref<256x64xf32, #tpu.memory_space<vmem>>, vector<16xf32>,
          %mul3A_455 = arith.mulf %get3A_451, %get3A_454 : vector<16xf32>
          %add3A_456 = arith.addf %add3A_448, %mul3A_455 : vector<16xf32>
          %broadcast_in_dim3A_457 = arith.constant true
          %broadcast_in_dim3A_458 = vector.broadcast %broadcast_in_dim3A_457 : i1 to vector<16xi1>
          %masked_cumsum3A_459 = tpu.scan <sum>, %add3A_456 masked %broadcast_in_dim3A_458 : vector<16xf32>, vector<16xi1> -> vector<16xf32>
          %mul3A_460 = arith.constant 16 : i32
          %mul3A_461 = arith.muli %scan3A_96, %mul3A_460 : i32
          %add3A_462 = arith.addi %add3A_60, %mul3A_461 : i32
          %add3A_463 = arith.constant 7 : i32
          %add3A_464 = arith.addi %add3A_462, %add3A_463 : i32
          %broadcast_in_dim3A_465 = vector.broadcast %add3A_464 : i32 to vector<16xi32>
          %eq3A_466 = arith.constant 15 : i32
          %eq3A_467 = vector.broadcast %eq3A_466 : i32 to vector<16xi32>
          %eq3A_468 = arith.cmpi eq, %iota3A, %eq3A_467 : vector<16xi32>
          tpu.vector_store_idx %arg12[%broadcast_in_dim3A_465], %masked_cumsum3A_459 masked %eq3A_468 : memref<32768xf32, #tpu.memory_space<vmem>>[vector<16xi32>], vector<16xf32>, vector<16xi1>
          %mul3A_469 = arith.constant 16 : i32
          %mul3A_470 = arith.muli %scan3A_96, %mul3A_469 : i32
          %add3A_471 = arith.constant 8 : i32
          %add3A_472 = arith.addi %mul3A_470, %add3A_471 : i32
          %get3A_473 = arith.index_cast %add3A_472 : i32 to index
          %get3A_474 = arith.constant 0 : index
          %get3A_475 = tpu.vector_load %arg8[%get3A_473, %get3A_474] {strides = array<i32>} : memref<256x64xf32, #tpu.memory_space<vmem>>, vector<16xf32>,
          %get3A_476 = arith.index_cast %add3A_472 : i32 to index
          %get3A_477 = arith.constant 0 : index
          %get3A_478 = tpu.vector_load %arg10[%get3A_476, %get3A_477] {strides = array<i32>} : memref<256x64xf32, #tpu.memory_space<vmem>>, vector<16xf32>,
          %mul3A_479 = arith.mulf %get3A_475, %get3A_478 : vector<16xf32>
          %get3A_480 = arith.index_cast %add3A_472 : i32 to index
          %get3A_481 = arith.constant 16 : index
          %get3A_482 = tpu.vector_load %arg8[%get3A_480, %get3A_481] {strides = array<i32>} : memref<256x64xf32, #tpu.memory_space<vmem>>, vector<16xf32>,
          %get3A_483 = arith.index_cast %add3A_472 : i32 to index
          %get3A_484 = arith.constant 16 : index
          %get3A_485 = tpu.vector_load %arg10[%get3A_483, %get3A_484] {strides = array<i32>} : memref<256x64xf32, #tpu.memory_space<vmem>>, vector<16xf32>,
          %mul3A_486 = arith.mulf %get3A_482, %get3A_485 : vector<16xf32>
          %add3A_487 = arith.addf %mul3A_479, %mul3A_486 : vector<16xf32>
          %get3A_488 = arith.index_cast %add3A_472 : i32 to index
          %get3A_489 = arith.constant 32 : index
          %get3A_490 = tpu.vector_load %arg8[%get3A_488, %get3A_489] {strides = array<i32>} : memref<256x64xf32, #tpu.memory_space<vmem>>, vector<16xf32>,
          %get3A_491 = arith.index_cast %add3A_472 : i32 to index
          %get3A_492 = arith.constant 32 : index
          %get3A_493 = tpu.vector_load %arg10[%get3A_491, %get3A_492] {strides = array<i32>} : memref<256x64xf32, #tpu.memory_space<vmem>>, vector<16xf32>,
          %mul3A_494 = arith.mulf %get3A_490, %get3A_493 : vector<16xf32>
          %add3A_495 = arith.addf %add3A_487, %mul3A_494 : vector<16xf32>
          %get3A_496 = arith.index_cast %add3A_472 : i32 to index
          %get3A_497 = arith.constant 48 : index
          %get3A_498 = tpu.vector_load %arg8[%get3A_496, %get3A_497] {strides = array<i32>} : memref<256x64xf32, #tpu.memory_space<vmem>>, vector<16xf32>,
          %get3A_499 = arith.index_cast %add3A_472 : i32 to index
          %get3A_500 = arith.constant 48 : index
          %get3A_501 = tpu.vector_load %arg10[%get3A_499, %get3A_500] {strides = array<i32>} : memref<256x64xf32, #tpu.memory_space<vmem>>, vector<16xf32>,
          %mul3A_502 = arith.mulf %get3A_498, %get3A_501 : vector<16xf32>
          %add3A_503 = arith.addf %add3A_495, %mul3A_502 : vector<16xf32>
          %broadcast_in_dim3A_504 = arith.constant true
          %broadcast_in_dim3A_505 = vector.broadcast %broadcast_in_dim3A_504 : i1 to vector<16xi1>
          %masked_cumsum3A_506 = tpu.scan <sum>, %add3A_503 masked %broadcast_in_dim3A_505 : vector<16xf32>, vector<16xi1> -> vector<16xf32>
          %mul3A_507 = arith.constant 16 : i32
          %mul3A_508 = arith.muli %scan3A_96, %mul3A_507 : i32
          %add3A_509 = arith.addi %add3A_60, %mul3A_508 : i32
          %add3A_510 = arith.constant 8 : i32
          %add3A_511 = arith.addi %add3A_509, %add3A_510 : i32
          %broadcast_in_dim3A_512 = vector.broadcast %add3A_511 : i32 to vector<16xi32>
          %eq3A_513 = arith.constant 15 : i32
          %eq3A_514 = vector.broadcast %eq3A_513 : i32 to vector<16xi32>
          %eq3A_515 = arith.cmpi eq, %iota3A, %eq3A_514 : vector<16xi32>
          tpu.vector_store_idx %arg12[%broadcast_in_dim3A_512], %masked_cumsum3A_506 masked %eq3A_515 : memref<32768xf32, #tpu.memory_space<vmem>>[vector<16xi32>], vector<16xf32>, vector<16xi1>
          %mul3A_516 = arith.constant 16 : i32
          %mul3A_517 = arith.muli %scan3A_96, %mul3A_516 : i32
          %add3A_518 = arith.constant 9 : i32
          %add3A_519 = arith.addi %mul3A_517, %add3A_518 : i32
          %get3A_520 = arith.index_cast %add3A_519 : i32 to index
          %get3A_521 = arith.constant 0 : index
          %get3A_522 = tpu.vector_load %arg8[%get3A_520, %get3A_521] {strides = array<i32>} : memref<256x64xf32, #tpu.memory_space<vmem>>, vector<16xf32>,
          %get3A_523 = arith.index_cast %add3A_519 : i32 to index
          %get3A_524 = arith.constant 0 : index
          %get3A_525 = tpu.vector_load %arg10[%get3A_523, %get3A_524] {strides = array<i32>} : memref<256x64xf32, #tpu.memory_space<vmem>>, vector<16xf32>,
          %mul3A_526 = arith.mulf %get3A_522, %get3A_525 : vector<16xf32>
          %get3A_527 = arith.index_cast %add3A_519 : i32 to index
          %get3A_528 = arith.constant 16 : index
          %get3A_529 = tpu.vector_load %arg8[%get3A_527, %get3A_528] {strides = array<i32>} : memref<256x64xf32, #tpu.memory_space<vmem>>, vector<16xf32>,
          %get3A_530 = arith.index_cast %add3A_519 : i32 to index
          %get3A_531 = arith.constant 16 : index
          %get3A_532 = tpu.vector_load %arg10[%get3A_530, %get3A_531] {strides = array<i32>} : memref<256x64xf32, #tpu.memory_space<vmem>>, vector<16xf32>,
          %mul3A_533 = arith.mulf %get3A_529, %get3A_532 : vector<16xf32>
          %add3A_534 = arith.addf %mul3A_526, %mul3A_533 : vector<16xf32>
          %get3A_535 = arith.index_cast %add3A_519 : i32 to index
          %get3A_536 = arith.constant 32 : index
          %get3A_537 = tpu.vector_load %arg8[%get3A_535, %get3A_536] {strides = array<i32>} : memref<256x64xf32, #tpu.memory_space<vmem>>, vector<16xf32>,
          %get3A_538 = arith.index_cast %add3A_519 : i32 to index
          %get3A_539 = arith.constant 32 : index
          %get3A_540 = tpu.vector_load %arg10[%get3A_538, %get3A_539] {strides = array<i32>} : memref<256x64xf32, #tpu.memory_space<vmem>>, vector<16xf32>,
          %mul3A_541 = arith.mulf %get3A_537, %get3A_540 : vector<16xf32>
          %add3A_542 = arith.addf %add3A_534, %mul3A_541 : vector<16xf32>
          %get3A_543 = arith.index_cast %add3A_519 : i32 to index
          %get3A_544 = arith.constant 48 : index
          %get3A_545 = tpu.vector_load %arg8[%get3A_543, %get3A_544] {strides = array<i32>} : memref<256x64xf32, #tpu.memory_space<vmem>>, vector<16xf32>,
          %get3A_546 = arith.index_cast %add3A_519 : i32 to index
          %get3A_547 = arith.constant 48 : index
          %get3A_548 = tpu.vector_load %arg10[%get3A_546, %get3A_547] {strides = array<i32>} : memref<256x64xf32, #tpu.memory_space<vmem>>, vector<16xf32>,
          %mul3A_549 = arith.mulf %get3A_545, %get3A_548 : vector<16xf32>
          %add3A_550 = arith.addf %add3A_542, %mul3A_549 : vector<16xf32>
          %broadcast_in_dim3A_551 = arith.constant true
          %broadcast_in_dim3A_552 = vector.broadcast %broadcast_in_dim3A_551 : i1 to vector<16xi1>
          %masked_cumsum3A_553 = tpu.scan <sum>, %add3A_550 masked %broadcast_in_dim3A_552 : vector<16xf32>, vector<16xi1> -> vector<16xf32>
          %mul3A_554 = arith.constant 16 : i32
          %mul3A_555 = arith.muli %scan3A_96, %mul3A_554 : i32
          %add3A_556 = arith.addi %add3A_60, %mul3A_555 : i32
          %add3A_557 = arith.constant 9 : i32
          %add3A_558 = arith.addi %add3A_556, %add3A_557 : i32
          %broadcast_in_dim3A_559 = vector.broadcast %add3A_558 : i32 to vector<16xi32>
          %eq3A_560 = arith.constant 15 : i32
          %eq3A_561 = vector.broadcast %eq3A_560 : i32 to vector<16xi32>
          %eq3A_562 = arith.cmpi eq, %iota3A, %eq3A_561 : vector<16xi32>
          tpu.vector_store_idx %arg12[%broadcast_in_dim3A_559], %masked_cumsum3A_553 masked %eq3A_562 : memref<32768xf32, #tpu.memory_space<vmem>>[vector<16xi32>], vector<16xf32>, vector<16xi1>
          %mul3A_563 = arith.constant 16 : i32
          %mul3A_564 = arith.muli %scan3A_96, %mul3A_563 : i32
          %add3A_565 = arith.constant 10 : i32
          %add3A_566 = arith.addi %mul3A_564, %add3A_565 : i32
          %get3A_567 = arith.index_cast %add3A_566 : i32 to index
          %get3A_568 = arith.constant 0 : index
          %get3A_569 = tpu.vector_load %arg8[%get3A_567, %get3A_568] {strides = array<i32>} : memref<256x64xf32, #tpu.memory_space<vmem>>, vector<16xf32>,
          %get3A_570 = arith.index_cast %add3A_566 : i32 to index
          %get3A_571 = arith.constant 0 : index
          %get3A_572 = tpu.vector_load %arg10[%get3A_570, %get3A_571] {strides = array<i32>} : memref<256x64xf32, #tpu.memory_space<vmem>>, vector<16xf32>,
          %mul3A_573 = arith.mulf %get3A_569, %get3A_572 : vector<16xf32>
          %get3A_574 = arith.index_cast %add3A_566 : i32 to index
          %get3A_575 = arith.constant 16 : index
          %get3A_576 = tpu.vector_load %arg8[%get3A_574, %get3A_575] {strides = array<i32>} : memref<256x64xf32, #tpu.memory_space<vmem>>, vector<16xf32>,
          %get3A_577 = arith.index_cast %add3A_566 : i32 to index
          %get3A_578 = arith.constant 16 : index
          %get3A_579 = tpu.vector_load %arg10[%get3A_577, %get3A_578] {strides = array<i32>} : memref<256x64xf32, #tpu.memory_space<vmem>>, vector<16xf32>,
          %mul3A_580 = arith.mulf %get3A_576, %get3A_579 : vector<16xf32>
          %add3A_581 = arith.addf %mul3A_573, %mul3A_580 : vector<16xf32>
          %get3A_582 = arith.index_cast %add3A_566 : i32 to index
          %get3A_583 = arith.constant 32 : index
          %get3A_584 = tpu.vector_load %arg8[%get3A_582, %get3A_583] {strides = array<i32>} : memref<256x64xf32, #tpu.memory_space<vmem>>, vector<16xf32>,
          %get3A_585 = arith.index_cast %add3A_566 : i32 to index
          %get3A_586 = arith.constant 32 : index
          %get3A_587 = tpu.vector_load %arg10[%get3A_585, %get3A_586] {strides = array<i32>} : memref<256x64xf32, #tpu.memory_space<vmem>>, vector<16xf32>,
          %mul3A_588 = arith.mulf %get3A_584, %get3A_587 : vector<16xf32>
          %add3A_589 = arith.addf %add3A_581, %mul3A_588 : vector<16xf32>
          %get3A_590 = arith.index_cast %add3A_566 : i32 to index
          %get3A_591 = arith.constant 48 : index
          %get3A_592 = tpu.vector_load %arg8[%get3A_590, %get3A_591] {strides = array<i32>} : memref<256x64xf32, #tpu.memory_space<vmem>>, vector<16xf32>,
          %get3A_593 = arith.index_cast %add3A_566 : i32 to index
          %get3A_594 = arith.constant 48 : index
          %get3A_595 = tpu.vector_load %arg10[%get3A_593, %get3A_594] {strides = array<i32>} : memref<256x64xf32, #tpu.memory_space<vmem>>, vector<16xf32>,
          %mul3A_596 = arith.mulf %get3A_592, %get3A_595 : vector<16xf32>
          %add3A_597 = arith.addf %add3A_589, %mul3A_596 : vector<16xf32>
          %broadcast_in_dim3A_598 = arith.constant true
          %broadcast_in_dim3A_599 = vector.broadcast %broadcast_in_dim3A_598 : i1 to vector<16xi1>
          %masked_cumsum3A_600 = tpu.scan <sum>, %add3A_597 masked %broadcast_in_dim3A_599 : vector<16xf32>, vector<16xi1> -> vector<16xf32>
          %mul3A_601 = arith.constant 16 : i32
          %mul3A_602 = arith.muli %scan3A_96, %mul3A_601 : i32
          %add3A_603 = arith.addi %add3A_60, %mul3A_602 : i32
          %add3A_604 = arith.constant 10 : i32
          %add3A_605 = arith.addi %add3A_603, %add3A_604 : i32
          %broadcast_in_dim3A_606 = vector.broadcast %add3A_605 : i32 to vector<16xi32>
          %eq3A_607 = arith.constant 15 : i32
          %eq3A_608 = vector.broadcast %eq3A_607 : i32 to vector<16xi32>
          %eq3A_609 = arith.cmpi eq, %iota3A, %eq3A_608 : vector<16xi32>
          tpu.vector_store_idx %arg12[%broadcast_in_dim3A_606], %masked_cumsum3A_600 masked %eq3A_609 : memref<32768xf32, #tpu.memory_space<vmem>>[vector<16xi32>], vector<16xf32>, vector<16xi1>
          %mul3A_610 = arith.constant 16 : i32
          %mul3A_611 = arith.muli %scan3A_96, %mul3A_610 : i32
          %add3A_612 = arith.constant 11 : i32
          %add3A_613 = arith.addi %mul3A_611, %add3A_612 : i32
          %get3A_614 = arith.index_cast %add3A_613 : i32 to index
          %get3A_615 = arith.constant 0 : index
          %get3A_616 = tpu.vector_load %arg8[%get3A_614, %get3A_615] {strides = array<i32>} : memref<256x64xf32, #tpu.memory_space<vmem>>, vector<16xf32>,
          %get3A_617 = arith.index_cast %add3A_613 : i32 to index
          %get3A_618 = arith.constant 0 : index
          %get3A_619 = tpu.vector_load %arg10[%get3A_617, %get3A_618] {strides = array<i32>} : memref<256x64xf32, #tpu.memory_space<vmem>>, vector<16xf32>,
          %mul3A_620 = arith.mulf %get3A_616, %get3A_619 : vector<16xf32>
          %get3A_621 = arith.index_cast %add3A_613 : i32 to index
          %get3A_622 = arith.constant 16 : index
          %get3A_623 = tpu.vector_load %arg8[%get3A_621, %get3A_622] {strides = array<i32>} : memref<256x64xf32, #tpu.memory_space<vmem>>, vector<16xf32>,
          %get3A_624 = arith.index_cast %add3A_613 : i32 to index
          %get3A_625 = arith.constant 16 : index
          %get3A_626 = tpu.vector_load %arg10[%get3A_624, %get3A_625] {strides = array<i32>} : memref<256x64xf32, #tpu.memory_space<vmem>>, vector<16xf32>,
          %mul3A_627 = arith.mulf %get3A_623, %get3A_626 : vector<16xf32>
          %add3A_628 = arith.addf %mul3A_620, %mul3A_627 : vector<16xf32>
          %get3A_629 = arith.index_cast %add3A_613 : i32 to index
          %get3A_630 = arith.constant 32 : index
          %get3A_631 = tpu.vector_load %arg8[%get3A_629, %get3A_630] {strides = array<i32>} : memref<256x64xf32, #tpu.memory_space<vmem>>, vector<16xf32>,
          %get3A_632 = arith.index_cast %add3A_613 : i32 to index
          %get3A_633 = arith.constant 32 : index
          %get3A_634 = tpu.vector_load %arg10[%get3A_632, %get3A_633] {strides = array<i32>} : memref<256x64xf32, #tpu.memory_space<vmem>>, vector<16xf32>,
          %mul3A_635 = arith.mulf %get3A_631, %get3A_634 : vector<16xf32>
          %add3A_636 = arith.addf %add3A_628, %mul3A_635 : vector<16xf32>
          %get3A_637 = arith.index_cast %add3A_613 : i32 to index
          %get3A_638 = arith.constant 48 : index
          %get3A_639 = tpu.vector_load %arg8[%get3A_637, %get3A_638] {strides = array<i32>} : memref<256x64xf32, #tpu.memory_space<vmem>>, vector<16xf32>,
          %get3A_640 = arith.index_cast %add3A_613 : i32 to index
          %get3A_641 = arith.constant 48 : index
          %get3A_642 = tpu.vector_load %arg10[%get3A_640, %get3A_641] {strides = array<i32>} : memref<256x64xf32, #tpu.memory_space<vmem>>, vector<16xf32>,
          %mul3A_643 = arith.mulf %get3A_639, %get3A_642 : vector<16xf32>
          %add3A_644 = arith.addf %add3A_636, %mul3A_643 : vector<16xf32>
          %broadcast_in_dim3A_645 = arith.constant true
          %broadcast_in_dim3A_646 = vector.broadcast %broadcast_in_dim3A_645 : i1 to vector<16xi1>
          %masked_cumsum3A_647 = tpu.scan <sum>, %add3A_644 masked %broadcast_in_dim3A_646 : vector<16xf32>, vector<16xi1> -> vector<16xf32>
          %mul3A_648 = arith.constant 16 : i32
          %mul3A_649 = arith.muli %scan3A_96, %mul3A_648 : i32
          %add3A_650 = arith.addi %add3A_60, %mul3A_649 : i32
          %add3A_651 = arith.constant 11 : i32
          %add3A_652 = arith.addi %add3A_650, %add3A_651 : i32
          %broadcast_in_dim3A_653 = vector.broadcast %add3A_652 : i32 to vector<16xi32>
          %eq3A_654 = arith.constant 15 : i32
          %eq3A_655 = vector.broadcast %eq3A_654 : i32 to vector<16xi32>
          %eq3A_656 = arith.cmpi eq, %iota3A, %eq3A_655 : vector<16xi32>
          tpu.vector_store_idx %arg12[%broadcast_in_dim3A_653], %masked_cumsum3A_647 masked %eq3A_656 : memref<32768xf32, #tpu.memory_space<vmem>>[vector<16xi32>], vector<16xf32>, vector<16xi1>
          %mul3A_657 = arith.constant 16 : i32
          %mul3A_658 = arith.muli %scan3A_96, %mul3A_657 : i32
          %add3A_659 = arith.constant 12 : i32
          %add3A_660 = arith.addi %mul3A_658, %add3A_659 : i32
          %get3A_661 = arith.index_cast %add3A_660 : i32 to index
          %get3A_662 = arith.constant 0 : index
          %get3A_663 = tpu.vector_load %arg8[%get3A_661, %get3A_662] {strides = array<i32>} : memref<256x64xf32, #tpu.memory_space<vmem>>, vector<16xf32>,
          %get3A_664 = arith.index_cast %add3A_660 : i32 to index
          %get3A_665 = arith.constant 0 : index
          %get3A_666 = tpu.vector_load %arg10[%get3A_664, %get3A_665] {strides = array<i32>} : memref<256x64xf32, #tpu.memory_space<vmem>>, vector<16xf32>,
          %mul3A_667 = arith.mulf %get3A_663, %get3A_666 : vector<16xf32>
          %get3A_668 = arith.index_cast %add3A_660 : i32 to index
          %get3A_669 = arith.constant 16 : index
          %get3A_670 = tpu.vector_load %arg8[%get3A_668, %get3A_669] {strides = array<i32>} : memref<256x64xf32, #tpu.memory_space<vmem>>, vector<16xf32>,
          %get3A_671 = arith.index_cast %add3A_660 : i32 to index
          %get3A_672 = arith.constant 16 : index
          %get3A_673 = tpu.vector_load %arg10[%get3A_671, %get3A_672] {strides = array<i32>} : memref<256x64xf32, #tpu.memory_space<vmem>>, vector<16xf32>,
          %mul3A_674 = arith.mulf %get3A_670, %get3A_673 : vector<16xf32>
          %add3A_675 = arith.addf %mul3A_667, %mul3A_674 : vector<16xf32>
          %get3A_676 = arith.index_cast %add3A_660 : i32 to index
          %get3A_677 = arith.constant 32 : index
          %get3A_678 = tpu.vector_load %arg8[%get3A_676, %get3A_677] {strides = array<i32>} : memref<256x64xf32, #tpu.memory_space<vmem>>, vector<16xf32>,
          %get3A_679 = arith.index_cast %add3A_660 : i32 to index
          %get3A_680 = arith.constant 32 : index
          %get3A_681 = tpu.vector_load %arg10[%get3A_679, %get3A_680] {strides = array<i32>} : memref<256x64xf32, #tpu.memory_space<vmem>>, vector<16xf32>,
          %mul3A_682 = arith.mulf %get3A_678, %get3A_681 : vector<16xf32>
          %add3A_683 = arith.addf %add3A_675, %mul3A_682 : vector<16xf32>
          %get3A_684 = arith.index_cast %add3A_660 : i32 to index
          %get3A_685 = arith.constant 48 : index
          %get3A_686 = tpu.vector_load %arg8[%get3A_684, %get3A_685] {strides = array<i32>} : memref<256x64xf32, #tpu.memory_space<vmem>>, vector<16xf32>,
          %get3A_687 = arith.index_cast %add3A_660 : i32 to index
          %get3A_688 = arith.constant 48 : index
          %get3A_689 = tpu.vector_load %arg10[%get3A_687, %get3A_688] {strides = array<i32>} : memref<256x64xf32, #tpu.memory_space<vmem>>, vector<16xf32>,
          %mul3A_690 = arith.mulf %get3A_686, %get3A_689 : vector<16xf32>
          %add3A_691 = arith.addf %add3A_683, %mul3A_690 : vector<16xf32>
          %broadcast_in_dim3A_692 = arith.constant true
          %broadcast_in_dim3A_693 = vector.broadcast %broadcast_in_dim3A_692 : i1 to vector<16xi1>
          %masked_cumsum3A_694 = tpu.scan <sum>, %add3A_691 masked %broadcast_in_dim3A_693 : vector<16xf32>, vector<16xi1> -> vector<16xf32>
          %mul3A_695 = arith.constant 16 : i32
          %mul3A_696 = arith.muli %scan3A_96, %mul3A_695 : i32
          %add3A_697 = arith.addi %add3A_60, %mul3A_696 : i32
          %add3A_698 = arith.constant 12 : i32
          %add3A_699 = arith.addi %add3A_697, %add3A_698 : i32
          %broadcast_in_dim3A_700 = vector.broadcast %add3A_699 : i32 to vector<16xi32>
          %eq3A_701 = arith.constant 15 : i32
          %eq3A_702 = vector.broadcast %eq3A_701 : i32 to vector<16xi32>
          %eq3A_703 = arith.cmpi eq, %iota3A, %eq3A_702 : vector<16xi32>
          tpu.vector_store_idx %arg12[%broadcast_in_dim3A_700], %masked_cumsum3A_694 masked %eq3A_703 : memref<32768xf32, #tpu.memory_space<vmem>>[vector<16xi32>], vector<16xf32>, vector<16xi1>
          %mul3A_704 = arith.constant 16 : i32
          %mul3A_705 = arith.muli %scan3A_96, %mul3A_704 : i32
          %add3A_706 = arith.constant 13 : i32
          %add3A_707 = arith.addi %mul3A_705, %add3A_706 : i32
          %get3A_708 = arith.index_cast %add3A_707 : i32 to index
          %get3A_709 = arith.constant 0 : index
          %get3A_710 = tpu.vector_load %arg8[%get3A_708, %get3A_709] {strides = array<i32>} : memref<256x64xf32, #tpu.memory_space<vmem>>, vector<16xf32>,
          %get3A_711 = arith.index_cast %add3A_707 : i32 to index
          %get3A_712 = arith.constant 0 : index
          %get3A_713 = tpu.vector_load %arg10[%get3A_711, %get3A_712] {strides = array<i32>} : memref<256x64xf32, #tpu.memory_space<vmem>>, vector<16xf32>,
          %mul3A_714 = arith.mulf %get3A_710, %get3A_713 : vector<16xf32>
          %get3A_715 = arith.index_cast %add3A_707 : i32 to index
          %get3A_716 = arith.constant 16 : index
          %get3A_717 = tpu.vector_load %arg8[%get3A_715, %get3A_716] {strides = array<i32>} : memref<256x64xf32, #tpu.memory_space<vmem>>, vector<16xf32>,
          %get3A_718 = arith.index_cast %add3A_707 : i32 to index
          %get3A_719 = arith.constant 16 : index
          %get3A_720 = tpu.vector_load %arg10[%get3A_718, %get3A_719] {strides = array<i32>} : memref<256x64xf32, #tpu.memory_space<vmem>>, vector<16xf32>,
          %mul3A_721 = arith.mulf %get3A_717, %get3A_720 : vector<16xf32>
          %add3A_722 = arith.addf %mul3A_714, %mul3A_721 : vector<16xf32>
          %get3A_723 = arith.index_cast %add3A_707 : i32 to index
          %get3A_724 = arith.constant 32 : index
          %get3A_725 = tpu.vector_load %arg8[%get3A_723, %get3A_724] {strides = array<i32>} : memref<256x64xf32, #tpu.memory_space<vmem>>, vector<16xf32>,
          %get3A_726 = arith.index_cast %add3A_707 : i32 to index
          %get3A_727 = arith.constant 32 : index
          %get3A_728 = tpu.vector_load %arg10[%get3A_726, %get3A_727] {strides = array<i32>} : memref<256x64xf32, #tpu.memory_space<vmem>>, vector<16xf32>,
          %mul3A_729 = arith.mulf %get3A_725, %get3A_728 : vector<16xf32>
          %add3A_730 = arith.addf %add3A_722, %mul3A_729 : vector<16xf32>
          %get3A_731 = arith.index_cast %add3A_707 : i32 to index
          %get3A_732 = arith.constant 48 : index
          %get3A_733 = tpu.vector_load %arg8[%get3A_731, %get3A_732] {strides = array<i32>} : memref<256x64xf32, #tpu.memory_space<vmem>>, vector<16xf32>,
          %get3A_734 = arith.index_cast %add3A_707 : i32 to index
          %get3A_735 = arith.constant 48 : index
          %get3A_736 = tpu.vector_load %arg10[%get3A_734, %get3A_735] {strides = array<i32>} : memref<256x64xf32, #tpu.memory_space<vmem>>, vector<16xf32>,
          %mul3A_737 = arith.mulf %get3A_733, %get3A_736 : vector<16xf32>
          %add3A_738 = arith.addf %add3A_730, %mul3A_737 : vector<16xf32>
          %broadcast_in_dim3A_739 = arith.constant true
          %broadcast_in_dim3A_740 = vector.broadcast %broadcast_in_dim3A_739 : i1 to vector<16xi1>
          %masked_cumsum3A_741 = tpu.scan <sum>, %add3A_738 masked %broadcast_in_dim3A_740 : vector<16xf32>, vector<16xi1> -> vector<16xf32>
          %mul3A_742 = arith.constant 16 : i32
          %mul3A_743 = arith.muli %scan3A_96, %mul3A_742 : i32
          %add3A_744 = arith.addi %add3A_60, %mul3A_743 : i32
          %add3A_745 = arith.constant 13 : i32
          %add3A_746 = arith.addi %add3A_744, %add3A_745 : i32
          %broadcast_in_dim3A_747 = vector.broadcast %add3A_746 : i32 to vector<16xi32>
          %eq3A_748 = arith.constant 15 : i32
          %eq3A_749 = vector.broadcast %eq3A_748 : i32 to vector<16xi32>
          %eq3A_750 = arith.cmpi eq, %iota3A, %eq3A_749 : vector<16xi32>
          tpu.vector_store_idx %arg12[%broadcast_in_dim3A_747], %masked_cumsum3A_741 masked %eq3A_750 : memref<32768xf32, #tpu.memory_space<vmem>>[vector<16xi32>], vector<16xf32>, vector<16xi1>
          %mul3A_751 = arith.constant 16 : i32
          %mul3A_752 = arith.muli %scan3A_96, %mul3A_751 : i32
          %add3A_753 = arith.constant 14 : i32
          %add3A_754 = arith.addi %mul3A_752, %add3A_753 : i32
          %get3A_755 = arith.index_cast %add3A_754 : i32 to index
          %get3A_756 = arith.constant 0 : index
          %get3A_757 = tpu.vector_load %arg8[%get3A_755, %get3A_756] {strides = array<i32>} : memref<256x64xf32, #tpu.memory_space<vmem>>, vector<16xf32>,
          %get3A_758 = arith.index_cast %add3A_754 : i32 to index
          %get3A_759 = arith.constant 0 : index
          %get3A_760 = tpu.vector_load %arg10[%get3A_758, %get3A_759] {strides = array<i32>} : memref<256x64xf32, #tpu.memory_space<vmem>>, vector<16xf32>,
          %mul3A_761 = arith.mulf %get3A_757, %get3A_760 : vector<16xf32>
          %get3A_762 = arith.index_cast %add3A_754 : i32 to index
          %get3A_763 = arith.constant 16 : index
          %get3A_764 = tpu.vector_load %arg8[%get3A_762, %get3A_763] {strides = array<i32>} : memref<256x64xf32, #tpu.memory_space<vmem>>, vector<16xf32>,
          %get3A_765 = arith.index_cast %add3A_754 : i32 to index
          %get3A_766 = arith.constant 16 : index
          %get3A_767 = tpu.vector_load %arg10[%get3A_765, %get3A_766] {strides = array<i32>} : memref<256x64xf32, #tpu.memory_space<vmem>>, vector<16xf32>,
          %mul3A_768 = arith.mulf %get3A_764, %get3A_767 : vector<16xf32>
          %add3A_769 = arith.addf %mul3A_761, %mul3A_768 : vector<16xf32>
          %get3A_770 = arith.index_cast %add3A_754 : i32 to index
          %get3A_771 = arith.constant 32 : index
          %get3A_772 = tpu.vector_load %arg8[%get3A_770, %get3A_771] {strides = array<i32>} : memref<256x64xf32, #tpu.memory_space<vmem>>, vector<16xf32>,
          %get3A_773 = arith.index_cast %add3A_754 : i32 to index
          %get3A_774 = arith.constant 32 : index
          %get3A_775 = tpu.vector_load %arg10[%get3A_773, %get3A_774] {strides = array<i32>} : memref<256x64xf32, #tpu.memory_space<vmem>>, vector<16xf32>,
          %mul3A_776 = arith.mulf %get3A_772, %get3A_775 : vector<16xf32>
          %add3A_777 = arith.addf %add3A_769, %mul3A_776 : vector<16xf32>
          %get3A_778 = arith.index_cast %add3A_754 : i32 to index
          %get3A_779 = arith.constant 48 : index
          %get3A_780 = tpu.vector_load %arg8[%get3A_778, %get3A_779] {strides = array<i32>} : memref<256x64xf32, #tpu.memory_space<vmem>>, vector<16xf32>,
          %get3A_781 = arith.index_cast %add3A_754 : i32 to index
          %get3A_782 = arith.constant 48 : index
          %get3A_783 = tpu.vector_load %arg10[%get3A_781, %get3A_782] {strides = array<i32>} : memref<256x64xf32, #tpu.memory_space<vmem>>, vector<16xf32>,
          %mul3A_784 = arith.mulf %get3A_780, %get3A_783 : vector<16xf32>
          %add3A_785 = arith.addf %add3A_777, %mul3A_784 : vector<16xf32>
          %broadcast_in_dim3A_786 = arith.constant true
          %broadcast_in_dim3A_787 = vector.broadcast %broadcast_in_dim3A_786 : i1 to vector<16xi1>
          %masked_cumsum3A_788 = tpu.scan <sum>, %add3A_785 masked %broadcast_in_dim3A_787 : vector<16xf32>, vector<16xi1> -> vector<16xf32>
          %mul3A_789 = arith.constant 16 : i32
          %mul3A_790 = arith.muli %scan3A_96, %mul3A_789 : i32
          %add3A_791 = arith.addi %add3A_60, %mul3A_790 : i32
          %add3A_792 = arith.constant 14 : i32
          %add3A_793 = arith.addi %add3A_791, %add3A_792 : i32
          %broadcast_in_dim3A_794 = vector.broadcast %add3A_793 : i32 to vector<16xi32>
          %eq3A_795 = arith.constant 15 : i32
          %eq3A_796 = vector.broadcast %eq3A_795 : i32 to vector<16xi32>
          %eq3A_797 = arith.cmpi eq, %iota3A, %eq3A_796 : vector<16xi32>
          tpu.vector_store_idx %arg12[%broadcast_in_dim3A_794], %masked_cumsum3A_788 masked %eq3A_797 : memref<32768xf32, #tpu.memory_space<vmem>>[vector<16xi32>], vector<16xf32>, vector<16xi1>
          %mul3A_798 = arith.constant 16 : i32
          %mul3A_799 = arith.muli %scan3A_96, %mul3A_798 : i32
          %add3A_800 = arith.constant 15 : i32
          %add3A_801 = arith.addi %mul3A_799, %add3A_800 : i32
          %get3A_802 = arith.index_cast %add3A_801 : i32 to index
          %get3A_803 = arith.constant 0 : index
          %get3A_804 = tpu.vector_load %arg8[%get3A_802, %get3A_803] {strides = array<i32>} : memref<256x64xf32, #tpu.memory_space<vmem>>, vector<16xf32>,
          %get3A_805 = arith.index_cast %add3A_801 : i32 to index
          %get3A_806 = arith.constant 0 : index
          %get3A_807 = tpu.vector_load %arg10[%get3A_805, %get3A_806] {strides = array<i32>} : memref<256x64xf32, #tpu.memory_space<vmem>>, vector<16xf32>,
          %mul3A_808 = arith.mulf %get3A_804, %get3A_807 : vector<16xf32>
          %get3A_809 = arith.index_cast %add3A_801 : i32 to index
          %get3A_810 = arith.constant 16 : index
          %get3A_811 = tpu.vector_load %arg8[%get3A_809, %get3A_810] {strides = array<i32>} : memref<256x64xf32, #tpu.memory_space<vmem>>, vector<16xf32>,
          %get3A_812 = arith.index_cast %add3A_801 : i32 to index
          %get3A_813 = arith.constant 16 : index
          %get3A_814 = tpu.vector_load %arg10[%get3A_812, %get3A_813] {strides = array<i32>} : memref<256x64xf32, #tpu.memory_space<vmem>>, vector<16xf32>,
          %mul3A_815 = arith.mulf %get3A_811, %get3A_814 : vector<16xf32>
          %add3A_816 = arith.addf %mul3A_808, %mul3A_815 : vector<16xf32>
          %get3A_817 = arith.index_cast %add3A_801 : i32 to index
          %get3A_818 = arith.constant 32 : index
          %get3A_819 = tpu.vector_load %arg8[%get3A_817, %get3A_818] {strides = array<i32>} : memref<256x64xf32, #tpu.memory_space<vmem>>, vector<16xf32>,
          %get3A_820 = arith.index_cast %add3A_801 : i32 to index
          %get3A_821 = arith.constant 32 : index
          %get3A_822 = tpu.vector_load %arg10[%get3A_820, %get3A_821] {strides = array<i32>} : memref<256x64xf32, #tpu.memory_space<vmem>>, vector<16xf32>,
          %mul3A_823 = arith.mulf %get3A_819, %get3A_822 : vector<16xf32>
          %add3A_824 = arith.addf %add3A_816, %mul3A_823 : vector<16xf32>
          %get3A_825 = arith.index_cast %add3A_801 : i32 to index
          %get3A_826 = arith.constant 48 : index
          %get3A_827 = tpu.vector_load %arg8[%get3A_825, %get3A_826] {strides = array<i32>} : memref<256x64xf32, #tpu.memory_space<vmem>>, vector<16xf32>,
          %get3A_828 = arith.index_cast %add3A_801 : i32 to index
          %get3A_829 = arith.constant 48 : index
          %get3A_830 = tpu.vector_load %arg10[%get3A_828, %get3A_829] {strides = array<i32>} : memref<256x64xf32, #tpu.memory_space<vmem>>, vector<16xf32>,
          %mul3A_831 = arith.mulf %get3A_827, %get3A_830 : vector<16xf32>
          %add3A_832 = arith.addf %add3A_824, %mul3A_831 : vector<16xf32>
          %broadcast_in_dim3A_833 = arith.constant true
          %broadcast_in_dim3A_834 = vector.broadcast %broadcast_in_dim3A_833 : i1 to vector<16xi1>
          %masked_cumsum3A_835 = tpu.scan <sum>, %add3A_832 masked %broadcast_in_dim3A_834 : vector<16xf32>, vector<16xi1> -> vector<16xf32>
          %mul3A_836 = arith.constant 16 : i32
          %mul3A_837 = arith.muli %scan3A_96, %mul3A_836 : i32
          %add3A_838 = arith.addi %add3A_60, %mul3A_837 : i32
          %add3A_839 = arith.constant 15 : i32
          %add3A_840 = arith.addi %add3A_838, %add3A_839 : i32
          %broadcast_in_dim3A_841 = vector.broadcast %add3A_840 : i32 to vector<16xi32>
          %eq3A_842 = arith.constant 15 : i32
          %eq3A_843 = vector.broadcast %eq3A_842 : i32 to vector<16xi32>
          %eq3A_844 = arith.cmpi eq, %iota3A, %eq3A_843 : vector<16xi32>
          tpu.vector_store_idx %arg12[%broadcast_in_dim3A_841], %masked_cumsum3A_835 masked %eq3A_844 : memref<32768xf32, #tpu.memory_space<vmem>>[vector<16xi32>], vector<16xf32>, vector<16xi1>
          %mul3A_845 = arith.constant 16 : i32
          %mul3A_846 = arith.muli %scan3A_96, %mul3A_845 : i32
          %add3A_847 = arith.addi %add3A_60, %mul3A_846 : i32
          %get3A_848 = arith.index_cast %add3A_847 : i32 to index
          %get3A_849 = tpu.vector_load %arg12[%get3A_848] {strides = array<i32>} : memref<32768xf32, #tpu.memory_space<vmem>>, vector<16xf32>,
          %neg3A = arith.constant 0.000000e+00 : f32
          %neg3A_850 = vector.broadcast %neg3A : f32 to vector<16xf32>
          %neg3A_851 = arith.subf %neg3A_850, %get3A_849 : vector<16xf32>
          %exp3A = math.exp %neg3A_851 : vector<16xf32>
          %add3A_852 = arith.constant 1.000000e+00 : f32
          %add3A_853 = vector.broadcast %add3A_852 : f32 to vector<16xf32>
          %add3A_854 = arith.addf %add3A_853, %exp3A : vector<16xf32>
          %div3A = arith.constant 1.000000e+00 : f32
          %div3A_855 = vector.broadcast %div3A : f32 to vector<16xf32>
          %div3A_856 = arith.divf %div3A_855, %add3A_854 : vector<16xf32>
          %mul3A_857 = arith.constant 16 : i32
          %mul3A_858 = arith.muli %scan3A_96, %mul3A_857 : i32
          %add3A_859 = arith.addi %add3A_60, %mul3A_858 : i32
          %swap3A = arith.index_cast %add3A_859 : i32 to index
          %swap3A_860 = tpu.vector_load %arg12[%swap3A] {strides = array<i32>} : memref<32768xf32, #tpu.memory_space<vmem>>, vector<16xf32>,
          tpu.vector_store %arg12[%swap3A], %div3A_856 {strides = array<i32>} : memref<32768xf32, #tpu.memory_space<vmem>>, vector<16xf32>,
        }
        %scan3A_66 = arith.constant 16 : i32
        %add3A_67 = arith.constant 2 : i32
        %add3A_68 = arith.addi %mul3A_31, %add3A_67 : i32
        %lt3A = arith.constant 32 : i32
        %lt3A_69 = arith.cmpi slt, %add3A_68, %lt3A : i32
        %convert_element_type3A = arith.extui %lt3A_69 : i1 to i32
        %cond3A = arith.constant 0 : i32
        %cond3A_70 = arith.cmpi ne, %convert_element_type3A, %cond3A : i32
        scf.if %cond3A_70 {
          %add3A_96 = arith.constant 2 : i32
          %add3A_97 = arith.addi %mul3A_31, %add3A_96 : i32
          %mul3A_98 = arith.constant 256 : i32
          %mul3A_99 = arith.muli %add3A_97, %mul3A_98 : i32
          %multiple_of3A_100 = tpu.assume_multiple %mul3A_99, 256 : i32
          %dma_start3A_101 = tpu.memref_slice %arg6[%multiple_of3A_100] : memref<8192xi32, #tpu.memory_space<vmem>> -> memref<256xi32, #tpu.memory_space<vmem>>
          %dma_start3A_102 = arith.constant 0 : i32
          %dma_start3A_103 = arith.constant 0 : i32
          %dma_start3A_104 = tpu.memref_slice %arg2[%dma_start3A_102, %dma_start3A_103] : memref<1000000x64xf32, #tpu.memory_space<hbm>> -> memref<1000000x64xf32, #tpu.memory_space<hbm>>
          tpu.enqueue_indirect_dma source(%dma_start3A_104 : memref<1000000x64xf32, #tpu.memory_space<hbm>>) target(%arg8 : memref<256x64xf32, #tpu.memory_space<vmem>>) offsets(%dma_start3A_101 : memref<256xi32, #tpu.memory_space<vmem>>) semaphore(%arg13 : memref<!tpu.dma_semaphore, #tpu.memory_space<semaphore_mem>>)
          %dma_start3A_105 = tpu.memref_slice %arg7[%multiple_of3A_100] : memref<8192xi32, #tpu.memory_space<vmem>> -> memref<256xi32, #tpu.memory_space<vmem>>
          %dma_start3A_106 = arith.constant 0 : i32
          %dma_start3A_107 = arith.constant 0 : i32
          %dma_start3A_108 = tpu.memref_slice %arg3[%dma_start3A_106, %dma_start3A_107] : memref<1000000x64xf32, #tpu.memory_space<hbm>> -> memref<1000000x64xf32, #tpu.memory_space<hbm>>
          tpu.enqueue_indirect_dma source(%dma_start3A_108 : memref<1000000x64xf32, #tpu.memory_space<hbm>>) target(%arg10 : memref<256x64xf32, #tpu.memory_space<vmem>>) offsets(%dma_start3A_105 : memref<256xi32, #tpu.memory_space<vmem>>) semaphore(%arg15 : memref<!tpu.dma_semaphore, #tpu.memory_space<semaphore_mem>>)
        } else {
        }
        %dma_wait3A_71 = arith.constant 0 : i32
        %dma_wait3A_72 = arith.constant 0 : i32
        %dma_wait3A_73 = tpu.memref_slice %arg2[%dma_wait3A_71, %dma_wait3A_72] : memref<1000000x64xf32, #tpu.memory_space<hbm>> -> memref<256x64xf32, #tpu.memory_space<hbm>>
        %dma_wait3A_74 = arith.constant 0 : i32
        %dma_wait3A_75 = arith.constant 0 : i32
        %dma_wait3A_76 = tpu.memref_slice %arg2[%dma_wait3A_74, %dma_wait3A_75] : memref<1000000x64xf32, #tpu.memory_space<hbm>> -> memref<256x64xf32, #tpu.memory_space<hbm>>
        tpu.wait_dma2 semaphore(%arg14 : memref<!tpu.dma_semaphore, #tpu.memory_space<semaphore_mem>>) src(%dma_wait3A_76 : memref<256x64xf32, #tpu.memory_space<hbm>>) dst(%arg9 : memref<256x64xf32, #tpu.memory_space<vmem>>)
        %dma_wait3A_77 = arith.constant 0 : i32
        %dma_wait3A_78 = arith.constant 0 : i32
        %dma_wait3A_79 = tpu.memref_slice %arg3[%dma_wait3A_77, %dma_wait3A_78] : memref<1000000x64xf32, #tpu.memory_space<hbm>> -> memref<256x64xf32, #tpu.memory_space<hbm>>
        %dma_wait3A_80 = arith.constant 0 : i32
        %dma_wait3A_81 = arith.constant 0 : i32
        %dma_wait3A_82 = tpu.memref_slice %arg3[%dma_wait3A_80, %dma_wait3A_81] : memref<1000000x64xf32, #tpu.memory_space<hbm>> -> memref<256x64xf32, #tpu.memory_space<hbm>>
        tpu.wait_dma2 semaphore(%arg16 : memref<!tpu.dma_semaphore, #tpu.memory_space<semaphore_mem>>) src(%dma_wait3A_82 : memref<256x64xf32, #tpu.memory_space<hbm>>) dst(%arg11 : memref<256x64xf32, #tpu.memory_space<vmem>>)
        %mul3A_83 = arith.constant 8192 : i32
        %mul3A_84 = arith.muli %scan3A_8, %mul3A_83 : i32
        %add3A_85 = arith.constant 1 : i32
        %add3A_86 = arith.addi %mul3A_31, %add3A_85 : i32
        %mul3A_87 = arith.constant 256 : i32
        %mul3A_88 = arith.muli %add3A_86, %mul3A_87 : i32
        %add3A_89 = arith.addi %mul3A_84, %mul3A_88 : i32
        %scan3A_90 = arith.constant 0 : i32
        %scan3A_91 = arith.constant 0 : i32
        %scan3A_92 = arith.constant 16 : i32
        %scan3A_93 = arith.addi %scan3A_91, %scan3A_92 : i32
        %scan3A_94 = arith.constant 1 : i32
        scf.for %scan3A_96 = %scan3A_91 to %scan3A_93 step %scan3A_94  : i32 {
          %mul3A_97 = arith.constant 16 : i32
          %mul3A_98 = arith.muli %scan3A_96, %mul3A_97 : i32
          %add3A_99 = arith.constant 0 : i32
          %add3A_100 = arith.addi %mul3A_98, %add3A_99 : i32
          %get3A = arith.index_cast %add3A_100 : i32 to index
          %get3A_101 = arith.constant 0 : index
          %get3A_102 = tpu.vector_load %arg9[%get3A, %get3A_101] {strides = array<i32>} : memref<256x64xf32, #tpu.memory_space<vmem>>, vector<16xf32>,
          %get3A_103 = arith.index_cast %add3A_100 : i32 to index
          %get3A_104 = arith.constant 0 : index
          %get3A_105 = tpu.vector_load %arg11[%get3A_103, %get3A_104] {strides = array<i32>} : memref<256x64xf32, #tpu.memory_space<vmem>>, vector<16xf32>,
          %mul3A_106 = arith.mulf %get3A_102, %get3A_105 : vector<16xf32>
          %get3A_107 = arith.index_cast %add3A_100 : i32 to index
          %get3A_108 = arith.constant 16 : index
          %get3A_109 = tpu.vector_load %arg9[%get3A_107, %get3A_108] {strides = array<i32>} : memref<256x64xf32, #tpu.memory_space<vmem>>, vector<16xf32>,
          %get3A_110 = arith.index_cast %add3A_100 : i32 to index
          %get3A_111 = arith.constant 16 : index
          %get3A_112 = tpu.vector_load %arg11[%get3A_110, %get3A_111] {strides = array<i32>} : memref<256x64xf32, #tpu.memory_space<vmem>>, vector<16xf32>,
          %mul3A_113 = arith.mulf %get3A_109, %get3A_112 : vector<16xf32>
          %add3A_114 = arith.addf %mul3A_106, %mul3A_113 : vector<16xf32>
          %get3A_115 = arith.index_cast %add3A_100 : i32 to index
          %get3A_116 = arith.constant 32 : index
          %get3A_117 = tpu.vector_load %arg9[%get3A_115, %get3A_116] {strides = array<i32>} : memref<256x64xf32, #tpu.memory_space<vmem>>, vector<16xf32>,
          %get3A_118 = arith.index_cast %add3A_100 : i32 to index
          %get3A_119 = arith.constant 32 : index
          %get3A_120 = tpu.vector_load %arg11[%get3A_118, %get3A_119] {strides = array<i32>} : memref<256x64xf32, #tpu.memory_space<vmem>>, vector<16xf32>,
          %mul3A_121 = arith.mulf %get3A_117, %get3A_120 : vector<16xf32>
          %add3A_122 = arith.addf %add3A_114, %mul3A_121 : vector<16xf32>
          %get3A_123 = arith.index_cast %add3A_100 : i32 to index
          %get3A_124 = arith.constant 48 : index
          %get3A_125 = tpu.vector_load %arg9[%get3A_123, %get3A_124] {strides = array<i32>} : memref<256x64xf32, #tpu.memory_space<vmem>>, vector<16xf32>,
          %get3A_126 = arith.index_cast %add3A_100 : i32 to index
          %get3A_127 = arith.constant 48 : index
          %get3A_128 = tpu.vector_load %arg11[%get3A_126, %get3A_127] {strides = array<i32>} : memref<256x64xf32, #tpu.memory_space<vmem>>, vector<16xf32>,
          %mul3A_129 = arith.mulf %get3A_125, %get3A_128 : vector<16xf32>
          %add3A_130 = arith.addf %add3A_122, %mul3A_129 : vector<16xf32>
          %broadcast_in_dim3A = arith.constant true
          %broadcast_in_dim3A_131 = vector.broadcast %broadcast_in_dim3A : i1 to vector<16xi1>
          %masked_cumsum3A = tpu.scan <sum>, %add3A_130 masked %broadcast_in_dim3A_131 : vector<16xf32>, vector<16xi1> -> vector<16xf32>
          %mul3A_132 = arith.constant 16 : i32
          %mul3A_133 = arith.muli %scan3A_96, %mul3A_132 : i32
          %add3A_134 = arith.addi %add3A_89, %mul3A_133 : i32
          %add3A_135 = arith.constant 0 : i32
          %add3A_136 = arith.addi %add3A_134, %add3A_135 : i32
          %broadcast_in_dim3A_137 = vector.broadcast %add3A_136 : i32 to vector<16xi32>
          %eq3A = arith.constant 15 : i32
          %eq3A_138 = vector.broadcast %eq3A : i32 to vector<16xi32>
          %eq3A_139 = arith.cmpi eq, %iota3A, %eq3A_138 : vector<16xi32>
          tpu.vector_store_idx %arg12[%broadcast_in_dim3A_137], %masked_cumsum3A masked %eq3A_139 : memref<32768xf32, #tpu.memory_space<vmem>>[vector<16xi32>], vector<16xf32>, vector<16xi1>
          %mul3A_140 = arith.constant 16 : i32
          %mul3A_141 = arith.muli %scan3A_96, %mul3A_140 : i32
          %add3A_142 = arith.constant 1 : i32
          %add3A_143 = arith.addi %mul3A_141, %add3A_142 : i32
          %get3A_144 = arith.index_cast %add3A_143 : i32 to index
          %get3A_145 = arith.constant 0 : index
          %get3A_146 = tpu.vector_load %arg9[%get3A_144, %get3A_145] {strides = array<i32>} : memref<256x64xf32, #tpu.memory_space<vmem>>, vector<16xf32>,
          %get3A_147 = arith.index_cast %add3A_143 : i32 to index
          %get3A_148 = arith.constant 0 : index
          %get3A_149 = tpu.vector_load %arg11[%get3A_147, %get3A_148] {strides = array<i32>} : memref<256x64xf32, #tpu.memory_space<vmem>>, vector<16xf32>,
          %mul3A_150 = arith.mulf %get3A_146, %get3A_149 : vector<16xf32>
          %get3A_151 = arith.index_cast %add3A_143 : i32 to index
          %get3A_152 = arith.constant 16 : index
          %get3A_153 = tpu.vector_load %arg9[%get3A_151, %get3A_152] {strides = array<i32>} : memref<256x64xf32, #tpu.memory_space<vmem>>, vector<16xf32>,
          %get3A_154 = arith.index_cast %add3A_143 : i32 to index
          %get3A_155 = arith.constant 16 : index
          %get3A_156 = tpu.vector_load %arg11[%get3A_154, %get3A_155] {strides = array<i32>} : memref<256x64xf32, #tpu.memory_space<vmem>>, vector<16xf32>,
          %mul3A_157 = arith.mulf %get3A_153, %get3A_156 : vector<16xf32>
          %add3A_158 = arith.addf %mul3A_150, %mul3A_157 : vector<16xf32>
          %get3A_159 = arith.index_cast %add3A_143 : i32 to index
          %get3A_160 = arith.constant 32 : index
          %get3A_161 = tpu.vector_load %arg9[%get3A_159, %get3A_160] {strides = array<i32>} : memref<256x64xf32, #tpu.memory_space<vmem>>, vector<16xf32>,
          %get3A_162 = arith.index_cast %add3A_143 : i32 to index
          %get3A_163 = arith.constant 32 : index
          %get3A_164 = tpu.vector_load %arg11[%get3A_162, %get3A_163] {strides = array<i32>} : memref<256x64xf32, #tpu.memory_space<vmem>>, vector<16xf32>,
          %mul3A_165 = arith.mulf %get3A_161, %get3A_164 : vector<16xf32>
          %add3A_166 = arith.addf %add3A_158, %mul3A_165 : vector<16xf32>
          %get3A_167 = arith.index_cast %add3A_143 : i32 to index
          %get3A_168 = arith.constant 48 : index
          %get3A_169 = tpu.vector_load %arg9[%get3A_167, %get3A_168] {strides = array<i32>} : memref<256x64xf32, #tpu.memory_space<vmem>>, vector<16xf32>,
          %get3A_170 = arith.index_cast %add3A_143 : i32 to index
          %get3A_171 = arith.constant 48 : index
          %get3A_172 = tpu.vector_load %arg11[%get3A_170, %get3A_171] {strides = array<i32>} : memref<256x64xf32, #tpu.memory_space<vmem>>, vector<16xf32>,
          %mul3A_173 = arith.mulf %get3A_169, %get3A_172 : vector<16xf32>
          %add3A_174 = arith.addf %add3A_166, %mul3A_173 : vector<16xf32>
          %broadcast_in_dim3A_175 = arith.constant true
          %broadcast_in_dim3A_176 = vector.broadcast %broadcast_in_dim3A_175 : i1 to vector<16xi1>
          %masked_cumsum3A_177 = tpu.scan <sum>, %add3A_174 masked %broadcast_in_dim3A_176 : vector<16xf32>, vector<16xi1> -> vector<16xf32>
          %mul3A_178 = arith.constant 16 : i32
          %mul3A_179 = arith.muli %scan3A_96, %mul3A_178 : i32
          %add3A_180 = arith.addi %add3A_89, %mul3A_179 : i32
          %add3A_181 = arith.constant 1 : i32
          %add3A_182 = arith.addi %add3A_180, %add3A_181 : i32
          %broadcast_in_dim3A_183 = vector.broadcast %add3A_182 : i32 to vector<16xi32>
          %eq3A_184 = arith.constant 15 : i32
          %eq3A_185 = vector.broadcast %eq3A_184 : i32 to vector<16xi32>
          %eq3A_186 = arith.cmpi eq, %iota3A, %eq3A_185 : vector<16xi32>
          tpu.vector_store_idx %arg12[%broadcast_in_dim3A_183], %masked_cumsum3A_177 masked %eq3A_186 : memref<32768xf32, #tpu.memory_space<vmem>>[vector<16xi32>], vector<16xf32>, vector<16xi1>
          %mul3A_187 = arith.constant 16 : i32
          %mul3A_188 = arith.muli %scan3A_96, %mul3A_187 : i32
          %add3A_189 = arith.constant 2 : i32
          %add3A_190 = arith.addi %mul3A_188, %add3A_189 : i32
          %get3A_191 = arith.index_cast %add3A_190 : i32 to index
          %get3A_192 = arith.constant 0 : index
          %get3A_193 = tpu.vector_load %arg9[%get3A_191, %get3A_192] {strides = array<i32>} : memref<256x64xf32, #tpu.memory_space<vmem>>, vector<16xf32>,
          %get3A_194 = arith.index_cast %add3A_190 : i32 to index
          %get3A_195 = arith.constant 0 : index
          %get3A_196 = tpu.vector_load %arg11[%get3A_194, %get3A_195] {strides = array<i32>} : memref<256x64xf32, #tpu.memory_space<vmem>>, vector<16xf32>,
          %mul3A_197 = arith.mulf %get3A_193, %get3A_196 : vector<16xf32>
          %get3A_198 = arith.index_cast %add3A_190 : i32 to index
          %get3A_199 = arith.constant 16 : index
          %get3A_200 = tpu.vector_load %arg9[%get3A_198, %get3A_199] {strides = array<i32>} : memref<256x64xf32, #tpu.memory_space<vmem>>, vector<16xf32>,
          %get3A_201 = arith.index_cast %add3A_190 : i32 to index
          %get3A_202 = arith.constant 16 : index
          %get3A_203 = tpu.vector_load %arg11[%get3A_201, %get3A_202] {strides = array<i32>} : memref<256x64xf32, #tpu.memory_space<vmem>>, vector<16xf32>,
          %mul3A_204 = arith.mulf %get3A_200, %get3A_203 : vector<16xf32>
          %add3A_205 = arith.addf %mul3A_197, %mul3A_204 : vector<16xf32>
          %get3A_206 = arith.index_cast %add3A_190 : i32 to index
          %get3A_207 = arith.constant 32 : index
          %get3A_208 = tpu.vector_load %arg9[%get3A_206, %get3A_207] {strides = array<i32>} : memref<256x64xf32, #tpu.memory_space<vmem>>, vector<16xf32>,
          %get3A_209 = arith.index_cast %add3A_190 : i32 to index
          %get3A_210 = arith.constant 32 : index
          %get3A_211 = tpu.vector_load %arg11[%get3A_209, %get3A_210] {strides = array<i32>} : memref<256x64xf32, #tpu.memory_space<vmem>>, vector<16xf32>,
          %mul3A_212 = arith.mulf %get3A_208, %get3A_211 : vector<16xf32>
          %add3A_213 = arith.addf %add3A_205, %mul3A_212 : vector<16xf32>
          %get3A_214 = arith.index_cast %add3A_190 : i32 to index
          %get3A_215 = arith.constant 48 : index
          %get3A_216 = tpu.vector_load %arg9[%get3A_214, %get3A_215] {strides = array<i32>} : memref<256x64xf32, #tpu.memory_space<vmem>>, vector<16xf32>,
          %get3A_217 = arith.index_cast %add3A_190 : i32 to index
          %get3A_218 = arith.constant 48 : index
          %get3A_219 = tpu.vector_load %arg11[%get3A_217, %get3A_218] {strides = array<i32>} : memref<256x64xf32, #tpu.memory_space<vmem>>, vector<16xf32>,
          %mul3A_220 = arith.mulf %get3A_216, %get3A_219 : vector<16xf32>
          %add3A_221 = arith.addf %add3A_213, %mul3A_220 : vector<16xf32>
          %broadcast_in_dim3A_222 = arith.constant true
          %broadcast_in_dim3A_223 = vector.broadcast %broadcast_in_dim3A_222 : i1 to vector<16xi1>
          %masked_cumsum3A_224 = tpu.scan <sum>, %add3A_221 masked %broadcast_in_dim3A_223 : vector<16xf32>, vector<16xi1> -> vector<16xf32>
          %mul3A_225 = arith.constant 16 : i32
          %mul3A_226 = arith.muli %scan3A_96, %mul3A_225 : i32
          %add3A_227 = arith.addi %add3A_89, %mul3A_226 : i32
          %add3A_228 = arith.constant 2 : i32
          %add3A_229 = arith.addi %add3A_227, %add3A_228 : i32
          %broadcast_in_dim3A_230 = vector.broadcast %add3A_229 : i32 to vector<16xi32>
          %eq3A_231 = arith.constant 15 : i32
          %eq3A_232 = vector.broadcast %eq3A_231 : i32 to vector<16xi32>
          %eq3A_233 = arith.cmpi eq, %iota3A, %eq3A_232 : vector<16xi32>
          tpu.vector_store_idx %arg12[%broadcast_in_dim3A_230], %masked_cumsum3A_224 masked %eq3A_233 : memref<32768xf32, #tpu.memory_space<vmem>>[vector<16xi32>], vector<16xf32>, vector<16xi1>
          %mul3A_234 = arith.constant 16 : i32
          %mul3A_235 = arith.muli %scan3A_96, %mul3A_234 : i32
          %add3A_236 = arith.constant 3 : i32
          %add3A_237 = arith.addi %mul3A_235, %add3A_236 : i32
          %get3A_238 = arith.index_cast %add3A_237 : i32 to index
          %get3A_239 = arith.constant 0 : index
          %get3A_240 = tpu.vector_load %arg9[%get3A_238, %get3A_239] {strides = array<i32>} : memref<256x64xf32, #tpu.memory_space<vmem>>, vector<16xf32>,
          %get3A_241 = arith.index_cast %add3A_237 : i32 to index
          %get3A_242 = arith.constant 0 : index
          %get3A_243 = tpu.vector_load %arg11[%get3A_241, %get3A_242] {strides = array<i32>} : memref<256x64xf32, #tpu.memory_space<vmem>>, vector<16xf32>,
          %mul3A_244 = arith.mulf %get3A_240, %get3A_243 : vector<16xf32>
          %get3A_245 = arith.index_cast %add3A_237 : i32 to index
          %get3A_246 = arith.constant 16 : index
          %get3A_247 = tpu.vector_load %arg9[%get3A_245, %get3A_246] {strides = array<i32>} : memref<256x64xf32, #tpu.memory_space<vmem>>, vector<16xf32>,
          %get3A_248 = arith.index_cast %add3A_237 : i32 to index
          %get3A_249 = arith.constant 16 : index
          %get3A_250 = tpu.vector_load %arg11[%get3A_248, %get3A_249] {strides = array<i32>} : memref<256x64xf32, #tpu.memory_space<vmem>>, vector<16xf32>,
          %mul3A_251 = arith.mulf %get3A_247, %get3A_250 : vector<16xf32>
          %add3A_252 = arith.addf %mul3A_244, %mul3A_251 : vector<16xf32>
          %get3A_253 = arith.index_cast %add3A_237 : i32 to index
          %get3A_254 = arith.constant 32 : index
          %get3A_255 = tpu.vector_load %arg9[%get3A_253, %get3A_254] {strides = array<i32>} : memref<256x64xf32, #tpu.memory_space<vmem>>, vector<16xf32>,
          %get3A_256 = arith.index_cast %add3A_237 : i32 to index
          %get3A_257 = arith.constant 32 : index
          %get3A_258 = tpu.vector_load %arg11[%get3A_256, %get3A_257] {strides = array<i32>} : memref<256x64xf32, #tpu.memory_space<vmem>>, vector<16xf32>,
          %mul3A_259 = arith.mulf %get3A_255, %get3A_258 : vector<16xf32>
          %add3A_260 = arith.addf %add3A_252, %mul3A_259 : vector<16xf32>
          %get3A_261 = arith.index_cast %add3A_237 : i32 to index
          %get3A_262 = arith.constant 48 : index
          %get3A_263 = tpu.vector_load %arg9[%get3A_261, %get3A_262] {strides = array<i32>} : memref<256x64xf32, #tpu.memory_space<vmem>>, vector<16xf32>,
          %get3A_264 = arith.index_cast %add3A_237 : i32 to index
          %get3A_265 = arith.constant 48 : index
          %get3A_266 = tpu.vector_load %arg11[%get3A_264, %get3A_265] {strides = array<i32>} : memref<256x64xf32, #tpu.memory_space<vmem>>, vector<16xf32>,
          %mul3A_267 = arith.mulf %get3A_263, %get3A_266 : vector<16xf32>
          %add3A_268 = arith.addf %add3A_260, %mul3A_267 : vector<16xf32>
          %broadcast_in_dim3A_269 = arith.constant true
          %broadcast_in_dim3A_270 = vector.broadcast %broadcast_in_dim3A_269 : i1 to vector<16xi1>
          %masked_cumsum3A_271 = tpu.scan <sum>, %add3A_268 masked %broadcast_in_dim3A_270 : vector<16xf32>, vector<16xi1> -> vector<16xf32>
          %mul3A_272 = arith.constant 16 : i32
          %mul3A_273 = arith.muli %scan3A_96, %mul3A_272 : i32
          %add3A_274 = arith.addi %add3A_89, %mul3A_273 : i32
          %add3A_275 = arith.constant 3 : i32
          %add3A_276 = arith.addi %add3A_274, %add3A_275 : i32
          %broadcast_in_dim3A_277 = vector.broadcast %add3A_276 : i32 to vector<16xi32>
          %eq3A_278 = arith.constant 15 : i32
          %eq3A_279 = vector.broadcast %eq3A_278 : i32 to vector<16xi32>
          %eq3A_280 = arith.cmpi eq, %iota3A, %eq3A_279 : vector<16xi32>
          tpu.vector_store_idx %arg12[%broadcast_in_dim3A_277], %masked_cumsum3A_271 masked %eq3A_280 : memref<32768xf32, #tpu.memory_space<vmem>>[vector<16xi32>], vector<16xf32>, vector<16xi1>
          %mul3A_281 = arith.constant 16 : i32
          %mul3A_282 = arith.muli %scan3A_96, %mul3A_281 : i32
          %add3A_283 = arith.constant 4 : i32
          %add3A_284 = arith.addi %mul3A_282, %add3A_283 : i32
          %get3A_285 = arith.index_cast %add3A_284 : i32 to index
          %get3A_286 = arith.constant 0 : index
          %get3A_287 = tpu.vector_load %arg9[%get3A_285, %get3A_286] {strides = array<i32>} : memref<256x64xf32, #tpu.memory_space<vmem>>, vector<16xf32>,
          %get3A_288 = arith.index_cast %add3A_284 : i32 to index
          %get3A_289 = arith.constant 0 : index
          %get3A_290 = tpu.vector_load %arg11[%get3A_288, %get3A_289] {strides = array<i32>} : memref<256x64xf32, #tpu.memory_space<vmem>>, vector<16xf32>,
          %mul3A_291 = arith.mulf %get3A_287, %get3A_290 : vector<16xf32>
          %get3A_292 = arith.index_cast %add3A_284 : i32 to index
          %get3A_293 = arith.constant 16 : index
          %get3A_294 = tpu.vector_load %arg9[%get3A_292, %get3A_293] {strides = array<i32>} : memref<256x64xf32, #tpu.memory_space<vmem>>, vector<16xf32>,
          %get3A_295 = arith.index_cast %add3A_284 : i32 to index
          %get3A_296 = arith.constant 16 : index
          %get3A_297 = tpu.vector_load %arg11[%get3A_295, %get3A_296] {strides = array<i32>} : memref<256x64xf32, #tpu.memory_space<vmem>>, vector<16xf32>,
          %mul3A_298 = arith.mulf %get3A_294, %get3A_297 : vector<16xf32>
          %add3A_299 = arith.addf %mul3A_291, %mul3A_298 : vector<16xf32>
          %get3A_300 = arith.index_cast %add3A_284 : i32 to index
          %get3A_301 = arith.constant 32 : index
          %get3A_302 = tpu.vector_load %arg9[%get3A_300, %get3A_301] {strides = array<i32>} : memref<256x64xf32, #tpu.memory_space<vmem>>, vector<16xf32>,
          %get3A_303 = arith.index_cast %add3A_284 : i32 to index
          %get3A_304 = arith.constant 32 : index
          %get3A_305 = tpu.vector_load %arg11[%get3A_303, %get3A_304] {strides = array<i32>} : memref<256x64xf32, #tpu.memory_space<vmem>>, vector<16xf32>,
          %mul3A_306 = arith.mulf %get3A_302, %get3A_305 : vector<16xf32>
          %add3A_307 = arith.addf %add3A_299, %mul3A_306 : vector<16xf32>
          %get3A_308 = arith.index_cast %add3A_284 : i32 to index
          %get3A_309 = arith.constant 48 : index
          %get3A_310 = tpu.vector_load %arg9[%get3A_308, %get3A_309] {strides = array<i32>} : memref<256x64xf32, #tpu.memory_space<vmem>>, vector<16xf32>,
          %get3A_311 = arith.index_cast %add3A_284 : i32 to index
          %get3A_312 = arith.constant 48 : index
          %get3A_313 = tpu.vector_load %arg11[%get3A_311, %get3A_312] {strides = array<i32>} : memref<256x64xf32, #tpu.memory_space<vmem>>, vector<16xf32>,
          %mul3A_314 = arith.mulf %get3A_310, %get3A_313 : vector<16xf32>
          %add3A_315 = arith.addf %add3A_307, %mul3A_314 : vector<16xf32>
          %broadcast_in_dim3A_316 = arith.constant true
          %broadcast_in_dim3A_317 = vector.broadcast %broadcast_in_dim3A_316 : i1 to vector<16xi1>
          %masked_cumsum3A_318 = tpu.scan <sum>, %add3A_315 masked %broadcast_in_dim3A_317 : vector<16xf32>, vector<16xi1> -> vector<16xf32>
          %mul3A_319 = arith.constant 16 : i32
          %mul3A_320 = arith.muli %scan3A_96, %mul3A_319 : i32
          %add3A_321 = arith.addi %add3A_89, %mul3A_320 : i32
          %add3A_322 = arith.constant 4 : i32
          %add3A_323 = arith.addi %add3A_321, %add3A_322 : i32
          %broadcast_in_dim3A_324 = vector.broadcast %add3A_323 : i32 to vector<16xi32>
          %eq3A_325 = arith.constant 15 : i32
          %eq3A_326 = vector.broadcast %eq3A_325 : i32 to vector<16xi32>
          %eq3A_327 = arith.cmpi eq, %iota3A, %eq3A_326 : vector<16xi32>
          tpu.vector_store_idx %arg12[%broadcast_in_dim3A_324], %masked_cumsum3A_318 masked %eq3A_327 : memref<32768xf32, #tpu.memory_space<vmem>>[vector<16xi32>], vector<16xf32>, vector<16xi1>
          %mul3A_328 = arith.constant 16 : i32
          %mul3A_329 = arith.muli %scan3A_96, %mul3A_328 : i32
          %add3A_330 = arith.constant 5 : i32
          %add3A_331 = arith.addi %mul3A_329, %add3A_330 : i32
          %get3A_332 = arith.index_cast %add3A_331 : i32 to index
          %get3A_333 = arith.constant 0 : index
          %get3A_334 = tpu.vector_load %arg9[%get3A_332, %get3A_333] {strides = array<i32>} : memref<256x64xf32, #tpu.memory_space<vmem>>, vector<16xf32>,
          %get3A_335 = arith.index_cast %add3A_331 : i32 to index
          %get3A_336 = arith.constant 0 : index
          %get3A_337 = tpu.vector_load %arg11[%get3A_335, %get3A_336] {strides = array<i32>} : memref<256x64xf32, #tpu.memory_space<vmem>>, vector<16xf32>,
          %mul3A_338 = arith.mulf %get3A_334, %get3A_337 : vector<16xf32>
          %get3A_339 = arith.index_cast %add3A_331 : i32 to index
          %get3A_340 = arith.constant 16 : index
          %get3A_341 = tpu.vector_load %arg9[%get3A_339, %get3A_340] {strides = array<i32>} : memref<256x64xf32, #tpu.memory_space<vmem>>, vector<16xf32>,
          %get3A_342 = arith.index_cast %add3A_331 : i32 to index
          %get3A_343 = arith.constant 16 : index
          %get3A_344 = tpu.vector_load %arg11[%get3A_342, %get3A_343] {strides = array<i32>} : memref<256x64xf32, #tpu.memory_space<vmem>>, vector<16xf32>,
          %mul3A_345 = arith.mulf %get3A_341, %get3A_344 : vector<16xf32>
          %add3A_346 = arith.addf %mul3A_338, %mul3A_345 : vector<16xf32>
          %get3A_347 = arith.index_cast %add3A_331 : i32 to index
          %get3A_348 = arith.constant 32 : index
          %get3A_349 = tpu.vector_load %arg9[%get3A_347, %get3A_348] {strides = array<i32>} : memref<256x64xf32, #tpu.memory_space<vmem>>, vector<16xf32>,
          %get3A_350 = arith.index_cast %add3A_331 : i32 to index
          %get3A_351 = arith.constant 32 : index
          %get3A_352 = tpu.vector_load %arg11[%get3A_350, %get3A_351] {strides = array<i32>} : memref<256x64xf32, #tpu.memory_space<vmem>>, vector<16xf32>,
          %mul3A_353 = arith.mulf %get3A_349, %get3A_352 : vector<16xf32>
          %add3A_354 = arith.addf %add3A_346, %mul3A_353 : vector<16xf32>
          %get3A_355 = arith.index_cast %add3A_331 : i32 to index
          %get3A_356 = arith.constant 48 : index
          %get3A_357 = tpu.vector_load %arg9[%get3A_355, %get3A_356] {strides = array<i32>} : memref<256x64xf32, #tpu.memory_space<vmem>>, vector<16xf32>,
          %get3A_358 = arith.index_cast %add3A_331 : i32 to index
          %get3A_359 = arith.constant 48 : index
          %get3A_360 = tpu.vector_load %arg11[%get3A_358, %get3A_359] {strides = array<i32>} : memref<256x64xf32, #tpu.memory_space<vmem>>, vector<16xf32>,
          %mul3A_361 = arith.mulf %get3A_357, %get3A_360 : vector<16xf32>
          %add3A_362 = arith.addf %add3A_354, %mul3A_361 : vector<16xf32>
          %broadcast_in_dim3A_363 = arith.constant true
          %broadcast_in_dim3A_364 = vector.broadcast %broadcast_in_dim3A_363 : i1 to vector<16xi1>
          %masked_cumsum3A_365 = tpu.scan <sum>, %add3A_362 masked %broadcast_in_dim3A_364 : vector<16xf32>, vector<16xi1> -> vector<16xf32>
          %mul3A_366 = arith.constant 16 : i32
          %mul3A_367 = arith.muli %scan3A_96, %mul3A_366 : i32
          %add3A_368 = arith.addi %add3A_89, %mul3A_367 : i32
          %add3A_369 = arith.constant 5 : i32
          %add3A_370 = arith.addi %add3A_368, %add3A_369 : i32
          %broadcast_in_dim3A_371 = vector.broadcast %add3A_370 : i32 to vector<16xi32>
          %eq3A_372 = arith.constant 15 : i32
          %eq3A_373 = vector.broadcast %eq3A_372 : i32 to vector<16xi32>
          %eq3A_374 = arith.cmpi eq, %iota3A, %eq3A_373 : vector<16xi32>
          tpu.vector_store_idx %arg12[%broadcast_in_dim3A_371], %masked_cumsum3A_365 masked %eq3A_374 : memref<32768xf32, #tpu.memory_space<vmem>>[vector<16xi32>], vector<16xf32>, vector<16xi1>
          %mul3A_375 = arith.constant 16 : i32
          %mul3A_376 = arith.muli %scan3A_96, %mul3A_375 : i32
          %add3A_377 = arith.constant 6 : i32
          %add3A_378 = arith.addi %mul3A_376, %add3A_377 : i32
          %get3A_379 = arith.index_cast %add3A_378 : i32 to index
          %get3A_380 = arith.constant 0 : index
          %get3A_381 = tpu.vector_load %arg9[%get3A_379, %get3A_380] {strides = array<i32>} : memref<256x64xf32, #tpu.memory_space<vmem>>, vector<16xf32>,
          %get3A_382 = arith.index_cast %add3A_378 : i32 to index
          %get3A_383 = arith.constant 0 : index
          %get3A_384 = tpu.vector_load %arg11[%get3A_382, %get3A_383] {strides = array<i32>} : memref<256x64xf32, #tpu.memory_space<vmem>>, vector<16xf32>,
          %mul3A_385 = arith.mulf %get3A_381, %get3A_384 : vector<16xf32>
          %get3A_386 = arith.index_cast %add3A_378 : i32 to index
          %get3A_387 = arith.constant 16 : index
          %get3A_388 = tpu.vector_load %arg9[%get3A_386, %get3A_387] {strides = array<i32>} : memref<256x64xf32, #tpu.memory_space<vmem>>, vector<16xf32>,
          %get3A_389 = arith.index_cast %add3A_378 : i32 to index
          %get3A_390 = arith.constant 16 : index
          %get3A_391 = tpu.vector_load %arg11[%get3A_389, %get3A_390] {strides = array<i32>} : memref<256x64xf32, #tpu.memory_space<vmem>>, vector<16xf32>,
          %mul3A_392 = arith.mulf %get3A_388, %get3A_391 : vector<16xf32>
          %add3A_393 = arith.addf %mul3A_385, %mul3A_392 : vector<16xf32>
          %get3A_394 = arith.index_cast %add3A_378 : i32 to index
          %get3A_395 = arith.constant 32 : index
          %get3A_396 = tpu.vector_load %arg9[%get3A_394, %get3A_395] {strides = array<i32>} : memref<256x64xf32, #tpu.memory_space<vmem>>, vector<16xf32>,
          %get3A_397 = arith.index_cast %add3A_378 : i32 to index
          %get3A_398 = arith.constant 32 : index
          %get3A_399 = tpu.vector_load %arg11[%get3A_397, %get3A_398] {strides = array<i32>} : memref<256x64xf32, #tpu.memory_space<vmem>>, vector<16xf32>,
          %mul3A_400 = arith.mulf %get3A_396, %get3A_399 : vector<16xf32>
          %add3A_401 = arith.addf %add3A_393, %mul3A_400 : vector<16xf32>
          %get3A_402 = arith.index_cast %add3A_378 : i32 to index
          %get3A_403 = arith.constant 48 : index
          %get3A_404 = tpu.vector_load %arg9[%get3A_402, %get3A_403] {strides = array<i32>} : memref<256x64xf32, #tpu.memory_space<vmem>>, vector<16xf32>,
          %get3A_405 = arith.index_cast %add3A_378 : i32 to index
          %get3A_406 = arith.constant 48 : index
          %get3A_407 = tpu.vector_load %arg11[%get3A_405, %get3A_406] {strides = array<i32>} : memref<256x64xf32, #tpu.memory_space<vmem>>, vector<16xf32>,
          %mul3A_408 = arith.mulf %get3A_404, %get3A_407 : vector<16xf32>
          %add3A_409 = arith.addf %add3A_401, %mul3A_408 : vector<16xf32>
          %broadcast_in_dim3A_410 = arith.constant true
          %broadcast_in_dim3A_411 = vector.broadcast %broadcast_in_dim3A_410 : i1 to vector<16xi1>
          %masked_cumsum3A_412 = tpu.scan <sum>, %add3A_409 masked %broadcast_in_dim3A_411 : vector<16xf32>, vector<16xi1> -> vector<16xf32>
          %mul3A_413 = arith.constant 16 : i32
          %mul3A_414 = arith.muli %scan3A_96, %mul3A_413 : i32
          %add3A_415 = arith.addi %add3A_89, %mul3A_414 : i32
          %add3A_416 = arith.constant 6 : i32
          %add3A_417 = arith.addi %add3A_415, %add3A_416 : i32
          %broadcast_in_dim3A_418 = vector.broadcast %add3A_417 : i32 to vector<16xi32>
          %eq3A_419 = arith.constant 15 : i32
          %eq3A_420 = vector.broadcast %eq3A_419 : i32 to vector<16xi32>
          %eq3A_421 = arith.cmpi eq, %iota3A, %eq3A_420 : vector<16xi32>
          tpu.vector_store_idx %arg12[%broadcast_in_dim3A_418], %masked_cumsum3A_412 masked %eq3A_421 : memref<32768xf32, #tpu.memory_space<vmem>>[vector<16xi32>], vector<16xf32>, vector<16xi1>
          %mul3A_422 = arith.constant 16 : i32
          %mul3A_423 = arith.muli %scan3A_96, %mul3A_422 : i32
          %add3A_424 = arith.constant 7 : i32
          %add3A_425 = arith.addi %mul3A_423, %add3A_424 : i32
          %get3A_426 = arith.index_cast %add3A_425 : i32 to index
          %get3A_427 = arith.constant 0 : index
          %get3A_428 = tpu.vector_load %arg9[%get3A_426, %get3A_427] {strides = array<i32>} : memref<256x64xf32, #tpu.memory_space<vmem>>, vector<16xf32>,
          %get3A_429 = arith.index_cast %add3A_425 : i32 to index
          %get3A_430 = arith.constant 0 : index
          %get3A_431 = tpu.vector_load %arg11[%get3A_429, %get3A_430] {strides = array<i32>} : memref<256x64xf32, #tpu.memory_space<vmem>>, vector<16xf32>,
          %mul3A_432 = arith.mulf %get3A_428, %get3A_431 : vector<16xf32>
          %get3A_433 = arith.index_cast %add3A_425 : i32 to index
          %get3A_434 = arith.constant 16 : index
          %get3A_435 = tpu.vector_load %arg9[%get3A_433, %get3A_434] {strides = array<i32>} : memref<256x64xf32, #tpu.memory_space<vmem>>, vector<16xf32>,
          %get3A_436 = arith.index_cast %add3A_425 : i32 to index
          %get3A_437 = arith.constant 16 : index
          %get3A_438 = tpu.vector_load %arg11[%get3A_436, %get3A_437] {strides = array<i32>} : memref<256x64xf32, #tpu.memory_space<vmem>>, vector<16xf32>,
          %mul3A_439 = arith.mulf %get3A_435, %get3A_438 : vector<16xf32>
          %add3A_440 = arith.addf %mul3A_432, %mul3A_439 : vector<16xf32>
          %get3A_441 = arith.index_cast %add3A_425 : i32 to index
          %get3A_442 = arith.constant 32 : index
          %get3A_443 = tpu.vector_load %arg9[%get3A_441, %get3A_442] {strides = array<i32>} : memref<256x64xf32, #tpu.memory_space<vmem>>, vector<16xf32>,
          %get3A_444 = arith.index_cast %add3A_425 : i32 to index
          %get3A_445 = arith.constant 32 : index
          %get3A_446 = tpu.vector_load %arg11[%get3A_444, %get3A_445] {strides = array<i32>} : memref<256x64xf32, #tpu.memory_space<vmem>>, vector<16xf32>,
          %mul3A_447 = arith.mulf %get3A_443, %get3A_446 : vector<16xf32>
          %add3A_448 = arith.addf %add3A_440, %mul3A_447 : vector<16xf32>
          %get3A_449 = arith.index_cast %add3A_425 : i32 to index
          %get3A_450 = arith.constant 48 : index
          %get3A_451 = tpu.vector_load %arg9[%get3A_449, %get3A_450] {strides = array<i32>} : memref<256x64xf32, #tpu.memory_space<vmem>>, vector<16xf32>,
          %get3A_452 = arith.index_cast %add3A_425 : i32 to index
          %get3A_453 = arith.constant 48 : index
          %get3A_454 = tpu.vector_load %arg11[%get3A_452, %get3A_453] {strides = array<i32>} : memref<256x64xf32, #tpu.memory_space<vmem>>, vector<16xf32>,
          %mul3A_455 = arith.mulf %get3A_451, %get3A_454 : vector<16xf32>
          %add3A_456 = arith.addf %add3A_448, %mul3A_455 : vector<16xf32>
          %broadcast_in_dim3A_457 = arith.constant true
          %broadcast_in_dim3A_458 = vector.broadcast %broadcast_in_dim3A_457 : i1 to vector<16xi1>
          %masked_cumsum3A_459 = tpu.scan <sum>, %add3A_456 masked %broadcast_in_dim3A_458 : vector<16xf32>, vector<16xi1> -> vector<16xf32>
          %mul3A_460 = arith.constant 16 : i32
          %mul3A_461 = arith.muli %scan3A_96, %mul3A_460 : i32
          %add3A_462 = arith.addi %add3A_89, %mul3A_461 : i32
          %add3A_463 = arith.constant 7 : i32
          %add3A_464 = arith.addi %add3A_462, %add3A_463 : i32
          %broadcast_in_dim3A_465 = vector.broadcast %add3A_464 : i32 to vector<16xi32>
          %eq3A_466 = arith.constant 15 : i32
          %eq3A_467 = vector.broadcast %eq3A_466 : i32 to vector<16xi32>
          %eq3A_468 = arith.cmpi eq, %iota3A, %eq3A_467 : vector<16xi32>
          tpu.vector_store_idx %arg12[%broadcast_in_dim3A_465], %masked_cumsum3A_459 masked %eq3A_468 : memref<32768xf32, #tpu.memory_space<vmem>>[vector<16xi32>], vector<16xf32>, vector<16xi1>
          %mul3A_469 = arith.constant 16 : i32
          %mul3A_470 = arith.muli %scan3A_96, %mul3A_469 : i32
          %add3A_471 = arith.constant 8 : i32
          %add3A_472 = arith.addi %mul3A_470, %add3A_471 : i32
          %get3A_473 = arith.index_cast %add3A_472 : i32 to index
          %get3A_474 = arith.constant 0 : index
          %get3A_475 = tpu.vector_load %arg9[%get3A_473, %get3A_474] {strides = array<i32>} : memref<256x64xf32, #tpu.memory_space<vmem>>, vector<16xf32>,
          %get3A_476 = arith.index_cast %add3A_472 : i32 to index
          %get3A_477 = arith.constant 0 : index
          %get3A_478 = tpu.vector_load %arg11[%get3A_476, %get3A_477] {strides = array<i32>} : memref<256x64xf32, #tpu.memory_space<vmem>>, vector<16xf32>,
          %mul3A_479 = arith.mulf %get3A_475, %get3A_478 : vector<16xf32>
          %get3A_480 = arith.index_cast %add3A_472 : i32 to index
          %get3A_481 = arith.constant 16 : index
          %get3A_482 = tpu.vector_load %arg9[%get3A_480, %get3A_481] {strides = array<i32>} : memref<256x64xf32, #tpu.memory_space<vmem>>, vector<16xf32>,
          %get3A_483 = arith.index_cast %add3A_472 : i32 to index
          %get3A_484 = arith.constant 16 : index
          %get3A_485 = tpu.vector_load %arg11[%get3A_483, %get3A_484] {strides = array<i32>} : memref<256x64xf32, #tpu.memory_space<vmem>>, vector<16xf32>,
          %mul3A_486 = arith.mulf %get3A_482, %get3A_485 : vector<16xf32>
          %add3A_487 = arith.addf %mul3A_479, %mul3A_486 : vector<16xf32>
          %get3A_488 = arith.index_cast %add3A_472 : i32 to index
          %get3A_489 = arith.constant 32 : index
          %get3A_490 = tpu.vector_load %arg9[%get3A_488, %get3A_489] {strides = array<i32>} : memref<256x64xf32, #tpu.memory_space<vmem>>, vector<16xf32>,
          %get3A_491 = arith.index_cast %add3A_472 : i32 to index
          %get3A_492 = arith.constant 32 : index
          %get3A_493 = tpu.vector_load %arg11[%get3A_491, %get3A_492] {strides = array<i32>} : memref<256x64xf32, #tpu.memory_space<vmem>>, vector<16xf32>,
          %mul3A_494 = arith.mulf %get3A_490, %get3A_493 : vector<16xf32>
          %add3A_495 = arith.addf %add3A_487, %mul3A_494 : vector<16xf32>
          %get3A_496 = arith.index_cast %add3A_472 : i32 to index
          %get3A_497 = arith.constant 48 : index
          %get3A_498 = tpu.vector_load %arg9[%get3A_496, %get3A_497] {strides = array<i32>} : memref<256x64xf32, #tpu.memory_space<vmem>>, vector<16xf32>,
          %get3A_499 = arith.index_cast %add3A_472 : i32 to index
          %get3A_500 = arith.constant 48 : index
          %get3A_501 = tpu.vector_load %arg11[%get3A_499, %get3A_500] {strides = array<i32>} : memref<256x64xf32, #tpu.memory_space<vmem>>, vector<16xf32>,
          %mul3A_502 = arith.mulf %get3A_498, %get3A_501 : vector<16xf32>
          %add3A_503 = arith.addf %add3A_495, %mul3A_502 : vector<16xf32>
          %broadcast_in_dim3A_504 = arith.constant true
          %broadcast_in_dim3A_505 = vector.broadcast %broadcast_in_dim3A_504 : i1 to vector<16xi1>
          %masked_cumsum3A_506 = tpu.scan <sum>, %add3A_503 masked %broadcast_in_dim3A_505 : vector<16xf32>, vector<16xi1> -> vector<16xf32>
          %mul3A_507 = arith.constant 16 : i32
          %mul3A_508 = arith.muli %scan3A_96, %mul3A_507 : i32
          %add3A_509 = arith.addi %add3A_89, %mul3A_508 : i32
          %add3A_510 = arith.constant 8 : i32
          %add3A_511 = arith.addi %add3A_509, %add3A_510 : i32
          %broadcast_in_dim3A_512 = vector.broadcast %add3A_511 : i32 to vector<16xi32>
          %eq3A_513 = arith.constant 15 : i32
          %eq3A_514 = vector.broadcast %eq3A_513 : i32 to vector<16xi32>
          %eq3A_515 = arith.cmpi eq, %iota3A, %eq3A_514 : vector<16xi32>
          tpu.vector_store_idx %arg12[%broadcast_in_dim3A_512], %masked_cumsum3A_506 masked %eq3A_515 : memref<32768xf32, #tpu.memory_space<vmem>>[vector<16xi32>], vector<16xf32>, vector<16xi1>
          %mul3A_516 = arith.constant 16 : i32
          %mul3A_517 = arith.muli %scan3A_96, %mul3A_516 : i32
          %add3A_518 = arith.constant 9 : i32
          %add3A_519 = arith.addi %mul3A_517, %add3A_518 : i32
          %get3A_520 = arith.index_cast %add3A_519 : i32 to index
          %get3A_521 = arith.constant 0 : index
          %get3A_522 = tpu.vector_load %arg9[%get3A_520, %get3A_521] {strides = array<i32>} : memref<256x64xf32, #tpu.memory_space<vmem>>, vector<16xf32>,
          %get3A_523 = arith.index_cast %add3A_519 : i32 to index
          %get3A_524 = arith.constant 0 : index
          %get3A_525 = tpu.vector_load %arg11[%get3A_523, %get3A_524] {strides = array<i32>} : memref<256x64xf32, #tpu.memory_space<vmem>>, vector<16xf32>,
          %mul3A_526 = arith.mulf %get3A_522, %get3A_525 : vector<16xf32>
          %get3A_527 = arith.index_cast %add3A_519 : i32 to index
          %get3A_528 = arith.constant 16 : index
          %get3A_529 = tpu.vector_load %arg9[%get3A_527, %get3A_528] {strides = array<i32>} : memref<256x64xf32, #tpu.memory_space<vmem>>, vector<16xf32>,
          %get3A_530 = arith.index_cast %add3A_519 : i32 to index
          %get3A_531 = arith.constant 16 : index
          %get3A_532 = tpu.vector_load %arg11[%get3A_530, %get3A_531] {strides = array<i32>} : memref<256x64xf32, #tpu.memory_space<vmem>>, vector<16xf32>,
          %mul3A_533 = arith.mulf %get3A_529, %get3A_532 : vector<16xf32>
          %add3A_534 = arith.addf %mul3A_526, %mul3A_533 : vector<16xf32>
          %get3A_535 = arith.index_cast %add3A_519 : i32 to index
          %get3A_536 = arith.constant 32 : index
          %get3A_537 = tpu.vector_load %arg9[%get3A_535, %get3A_536] {strides = array<i32>} : memref<256x64xf32, #tpu.memory_space<vmem>>, vector<16xf32>,
          %get3A_538 = arith.index_cast %add3A_519 : i32 to index
          %get3A_539 = arith.constant 32 : index
          %get3A_540 = tpu.vector_load %arg11[%get3A_538, %get3A_539] {strides = array<i32>} : memref<256x64xf32, #tpu.memory_space<vmem>>, vector<16xf32>,
          %mul3A_541 = arith.mulf %get3A_537, %get3A_540 : vector<16xf32>
          %add3A_542 = arith.addf %add3A_534, %mul3A_541 : vector<16xf32>
          %get3A_543 = arith.index_cast %add3A_519 : i32 to index
          %get3A_544 = arith.constant 48 : index
          %get3A_545 = tpu.vector_load %arg9[%get3A_543, %get3A_544] {strides = array<i32>} : memref<256x64xf32, #tpu.memory_space<vmem>>, vector<16xf32>,
          %get3A_546 = arith.index_cast %add3A_519 : i32 to index
          %get3A_547 = arith.constant 48 : index
          %get3A_548 = tpu.vector_load %arg11[%get3A_546, %get3A_547] {strides = array<i32>} : memref<256x64xf32, #tpu.memory_space<vmem>>, vector<16xf32>,
          %mul3A_549 = arith.mulf %get3A_545, %get3A_548 : vector<16xf32>
          %add3A_550 = arith.addf %add3A_542, %mul3A_549 : vector<16xf32>
          %broadcast_in_dim3A_551 = arith.constant true
          %broadcast_in_dim3A_552 = vector.broadcast %broadcast_in_dim3A_551 : i1 to vector<16xi1>
          %masked_cumsum3A_553 = tpu.scan <sum>, %add3A_550 masked %broadcast_in_dim3A_552 : vector<16xf32>, vector<16xi1> -> vector<16xf32>
          %mul3A_554 = arith.constant 16 : i32
          %mul3A_555 = arith.muli %scan3A_96, %mul3A_554 : i32
          %add3A_556 = arith.addi %add3A_89, %mul3A_555 : i32
          %add3A_557 = arith.constant 9 : i32
          %add3A_558 = arith.addi %add3A_556, %add3A_557 : i32
          %broadcast_in_dim3A_559 = vector.broadcast %add3A_558 : i32 to vector<16xi32>
          %eq3A_560 = arith.constant 15 : i32
          %eq3A_561 = vector.broadcast %eq3A_560 : i32 to vector<16xi32>
          %eq3A_562 = arith.cmpi eq, %iota3A, %eq3A_561 : vector<16xi32>
          tpu.vector_store_idx %arg12[%broadcast_in_dim3A_559], %masked_cumsum3A_553 masked %eq3A_562 : memref<32768xf32, #tpu.memory_space<vmem>>[vector<16xi32>], vector<16xf32>, vector<16xi1>
          %mul3A_563 = arith.constant 16 : i32
          %mul3A_564 = arith.muli %scan3A_96, %mul3A_563 : i32
          %add3A_565 = arith.constant 10 : i32
          %add3A_566 = arith.addi %mul3A_564, %add3A_565 : i32
          %get3A_567 = arith.index_cast %add3A_566 : i32 to index
          %get3A_568 = arith.constant 0 : index
          %get3A_569 = tpu.vector_load %arg9[%get3A_567, %get3A_568] {strides = array<i32>} : memref<256x64xf32, #tpu.memory_space<vmem>>, vector<16xf32>,
          %get3A_570 = arith.index_cast %add3A_566 : i32 to index
          %get3A_571 = arith.constant 0 : index
          %get3A_572 = tpu.vector_load %arg11[%get3A_570, %get3A_571] {strides = array<i32>} : memref<256x64xf32, #tpu.memory_space<vmem>>, vector<16xf32>,
          %mul3A_573 = arith.mulf %get3A_569, %get3A_572 : vector<16xf32>
          %get3A_574 = arith.index_cast %add3A_566 : i32 to index
          %get3A_575 = arith.constant 16 : index
          %get3A_576 = tpu.vector_load %arg9[%get3A_574, %get3A_575] {strides = array<i32>} : memref<256x64xf32, #tpu.memory_space<vmem>>, vector<16xf32>,
          %get3A_577 = arith.index_cast %add3A_566 : i32 to index
          %get3A_578 = arith.constant 16 : index
          %get3A_579 = tpu.vector_load %arg11[%get3A_577, %get3A_578] {strides = array<i32>} : memref<256x64xf32, #tpu.memory_space<vmem>>, vector<16xf32>,
          %mul3A_580 = arith.mulf %get3A_576, %get3A_579 : vector<16xf32>
          %add3A_581 = arith.addf %mul3A_573, %mul3A_580 : vector<16xf32>
          %get3A_582 = arith.index_cast %add3A_566 : i32 to index
          %get3A_583 = arith.constant 32 : index
          %get3A_584 = tpu.vector_load %arg9[%get3A_582, %get3A_583] {strides = array<i32>} : memref<256x64xf32, #tpu.memory_space<vmem>>, vector<16xf32>,
          %get3A_585 = arith.index_cast %add3A_566 : i32 to index
          %get3A_586 = arith.constant 32 : index
          %get3A_587 = tpu.vector_load %arg11[%get3A_585, %get3A_586] {strides = array<i32>} : memref<256x64xf32, #tpu.memory_space<vmem>>, vector<16xf32>,
          %mul3A_588 = arith.mulf %get3A_584, %get3A_587 : vector<16xf32>
          %add3A_589 = arith.addf %add3A_581, %mul3A_588 : vector<16xf32>
          %get3A_590 = arith.index_cast %add3A_566 : i32 to index
          %get3A_591 = arith.constant 48 : index
          %get3A_592 = tpu.vector_load %arg9[%get3A_590, %get3A_591] {strides = array<i32>} : memref<256x64xf32, #tpu.memory_space<vmem>>, vector<16xf32>,
          %get3A_593 = arith.index_cast %add3A_566 : i32 to index
          %get3A_594 = arith.constant 48 : index
          %get3A_595 = tpu.vector_load %arg11[%get3A_593, %get3A_594] {strides = array<i32>} : memref<256x64xf32, #tpu.memory_space<vmem>>, vector<16xf32>,
          %mul3A_596 = arith.mulf %get3A_592, %get3A_595 : vector<16xf32>
          %add3A_597 = arith.addf %add3A_589, %mul3A_596 : vector<16xf32>
          %broadcast_in_dim3A_598 = arith.constant true
          %broadcast_in_dim3A_599 = vector.broadcast %broadcast_in_dim3A_598 : i1 to vector<16xi1>
          %masked_cumsum3A_600 = tpu.scan <sum>, %add3A_597 masked %broadcast_in_dim3A_599 : vector<16xf32>, vector<16xi1> -> vector<16xf32>
          %mul3A_601 = arith.constant 16 : i32
          %mul3A_602 = arith.muli %scan3A_96, %mul3A_601 : i32
          %add3A_603 = arith.addi %add3A_89, %mul3A_602 : i32
          %add3A_604 = arith.constant 10 : i32
          %add3A_605 = arith.addi %add3A_603, %add3A_604 : i32
          %broadcast_in_dim3A_606 = vector.broadcast %add3A_605 : i32 to vector<16xi32>
          %eq3A_607 = arith.constant 15 : i32
          %eq3A_608 = vector.broadcast %eq3A_607 : i32 to vector<16xi32>
          %eq3A_609 = arith.cmpi eq, %iota3A, %eq3A_608 : vector<16xi32>
          tpu.vector_store_idx %arg12[%broadcast_in_dim3A_606], %masked_cumsum3A_600 masked %eq3A_609 : memref<32768xf32, #tpu.memory_space<vmem>>[vector<16xi32>], vector<16xf32>, vector<16xi1>
          %mul3A_610 = arith.constant 16 : i32
          %mul3A_611 = arith.muli %scan3A_96, %mul3A_610 : i32
          %add3A_612 = arith.constant 11 : i32
          %add3A_613 = arith.addi %mul3A_611, %add3A_612 : i32
          %get3A_614 = arith.index_cast %add3A_613 : i32 to index
          %get3A_615 = arith.constant 0 : index
          %get3A_616 = tpu.vector_load %arg9[%get3A_614, %get3A_615] {strides = array<i32>} : memref<256x64xf32, #tpu.memory_space<vmem>>, vector<16xf32>,
          %get3A_617 = arith.index_cast %add3A_613 : i32 to index
          %get3A_618 = arith.constant 0 : index
          %get3A_619 = tpu.vector_load %arg11[%get3A_617, %get3A_618] {strides = array<i32>} : memref<256x64xf32, #tpu.memory_space<vmem>>, vector<16xf32>,
          %mul3A_620 = arith.mulf %get3A_616, %get3A_619 : vector<16xf32>
          %get3A_621 = arith.index_cast %add3A_613 : i32 to index
          %get3A_622 = arith.constant 16 : index
          %get3A_623 = tpu.vector_load %arg9[%get3A_621, %get3A_622] {strides = array<i32>} : memref<256x64xf32, #tpu.memory_space<vmem>>, vector<16xf32>,
          %get3A_624 = arith.index_cast %add3A_613 : i32 to index
          %get3A_625 = arith.constant 16 : index
          %get3A_626 = tpu.vector_load %arg11[%get3A_624, %get3A_625] {strides = array<i32>} : memref<256x64xf32, #tpu.memory_space<vmem>>, vector<16xf32>,
          %mul3A_627 = arith.mulf %get3A_623, %get3A_626 : vector<16xf32>
          %add3A_628 = arith.addf %mul3A_620, %mul3A_627 : vector<16xf32>
          %get3A_629 = arith.index_cast %add3A_613 : i32 to index
          %get3A_630 = arith.constant 32 : index
          %get3A_631 = tpu.vector_load %arg9[%get3A_629, %get3A_630] {strides = array<i32>} : memref<256x64xf32, #tpu.memory_space<vmem>>, vector<16xf32>,
          %get3A_632 = arith.index_cast %add3A_613 : i32 to index
          %get3A_633 = arith.constant 32 : index
          %get3A_634 = tpu.vector_load %arg11[%get3A_632, %get3A_633] {strides = array<i32>} : memref<256x64xf32, #tpu.memory_space<vmem>>, vector<16xf32>,
          %mul3A_635 = arith.mulf %get3A_631, %get3A_634 : vector<16xf32>
          %add3A_636 = arith.addf %add3A_628, %mul3A_635 : vector<16xf32>
          %get3A_637 = arith.index_cast %add3A_613 : i32 to index
          %get3A_638 = arith.constant 48 : index
          %get3A_639 = tpu.vector_load %arg9[%get3A_637, %get3A_638] {strides = array<i32>} : memref<256x64xf32, #tpu.memory_space<vmem>>, vector<16xf32>,
          %get3A_640 = arith.index_cast %add3A_613 : i32 to index
          %get3A_641 = arith.constant 48 : index
          %get3A_642 = tpu.vector_load %arg11[%get3A_640, %get3A_641] {strides = array<i32>} : memref<256x64xf32, #tpu.memory_space<vmem>>, vector<16xf32>,
          %mul3A_643 = arith.mulf %get3A_639, %get3A_642 : vector<16xf32>
          %add3A_644 = arith.addf %add3A_636, %mul3A_643 : vector<16xf32>
          %broadcast_in_dim3A_645 = arith.constant true
          %broadcast_in_dim3A_646 = vector.broadcast %broadcast_in_dim3A_645 : i1 to vector<16xi1>
          %masked_cumsum3A_647 = tpu.scan <sum>, %add3A_644 masked %broadcast_in_dim3A_646 : vector<16xf32>, vector<16xi1> -> vector<16xf32>
          %mul3A_648 = arith.constant 16 : i32
          %mul3A_649 = arith.muli %scan3A_96, %mul3A_648 : i32
          %add3A_650 = arith.addi %add3A_89, %mul3A_649 : i32
          %add3A_651 = arith.constant 11 : i32
          %add3A_652 = arith.addi %add3A_650, %add3A_651 : i32
          %broadcast_in_dim3A_653 = vector.broadcast %add3A_652 : i32 to vector<16xi32>
          %eq3A_654 = arith.constant 15 : i32
          %eq3A_655 = vector.broadcast %eq3A_654 : i32 to vector<16xi32>
          %eq3A_656 = arith.cmpi eq, %iota3A, %eq3A_655 : vector<16xi32>
          tpu.vector_store_idx %arg12[%broadcast_in_dim3A_653], %masked_cumsum3A_647 masked %eq3A_656 : memref<32768xf32, #tpu.memory_space<vmem>>[vector<16xi32>], vector<16xf32>, vector<16xi1>
          %mul3A_657 = arith.constant 16 : i32
          %mul3A_658 = arith.muli %scan3A_96, %mul3A_657 : i32
          %add3A_659 = arith.constant 12 : i32
          %add3A_660 = arith.addi %mul3A_658, %add3A_659 : i32
          %get3A_661 = arith.index_cast %add3A_660 : i32 to index
          %get3A_662 = arith.constant 0 : index
          %get3A_663 = tpu.vector_load %arg9[%get3A_661, %get3A_662] {strides = array<i32>} : memref<256x64xf32, #tpu.memory_space<vmem>>, vector<16xf32>,
          %get3A_664 = arith.index_cast %add3A_660 : i32 to index
          %get3A_665 = arith.constant 0 : index
          %get3A_666 = tpu.vector_load %arg11[%get3A_664, %get3A_665] {strides = array<i32>} : memref<256x64xf32, #tpu.memory_space<vmem>>, vector<16xf32>,
          %mul3A_667 = arith.mulf %get3A_663, %get3A_666 : vector<16xf32>
          %get3A_668 = arith.index_cast %add3A_660 : i32 to index
          %get3A_669 = arith.constant 16 : index
          %get3A_670 = tpu.vector_load %arg9[%get3A_668, %get3A_669] {strides = array<i32>} : memref<256x64xf32, #tpu.memory_space<vmem>>, vector<16xf32>,
          %get3A_671 = arith.index_cast %add3A_660 : i32 to index
          %get3A_672 = arith.constant 16 : index
          %get3A_673 = tpu.vector_load %arg11[%get3A_671, %get3A_672] {strides = array<i32>} : memref<256x64xf32, #tpu.memory_space<vmem>>, vector<16xf32>,
          %mul3A_674 = arith.mulf %get3A_670, %get3A_673 : vector<16xf32>
          %add3A_675 = arith.addf %mul3A_667, %mul3A_674 : vector<16xf32>
          %get3A_676 = arith.index_cast %add3A_660 : i32 to index
          %get3A_677 = arith.constant 32 : index
          %get3A_678 = tpu.vector_load %arg9[%get3A_676, %get3A_677] {strides = array<i32>} : memref<256x64xf32, #tpu.memory_space<vmem>>, vector<16xf32>,
          %get3A_679 = arith.index_cast %add3A_660 : i32 to index
          %get3A_680 = arith.constant 32 : index
          %get3A_681 = tpu.vector_load %arg11[%get3A_679, %get3A_680] {strides = array<i32>} : memref<256x64xf32, #tpu.memory_space<vmem>>, vector<16xf32>,
          %mul3A_682 = arith.mulf %get3A_678, %get3A_681 : vector<16xf32>
          %add3A_683 = arith.addf %add3A_675, %mul3A_682 : vector<16xf32>
          %get3A_684 = arith.index_cast %add3A_660 : i32 to index
          %get3A_685 = arith.constant 48 : index
          %get3A_686 = tpu.vector_load %arg9[%get3A_684, %get3A_685] {strides = array<i32>} : memref<256x64xf32, #tpu.memory_space<vmem>>, vector<16xf32>,
          %get3A_687 = arith.index_cast %add3A_660 : i32 to index
          %get3A_688 = arith.constant 48 : index
          %get3A_689 = tpu.vector_load %arg11[%get3A_687, %get3A_688] {strides = array<i32>} : memref<256x64xf32, #tpu.memory_space<vmem>>, vector<16xf32>,
          %mul3A_690 = arith.mulf %get3A_686, %get3A_689 : vector<16xf32>
          %add3A_691 = arith.addf %add3A_683, %mul3A_690 : vector<16xf32>
          %broadcast_in_dim3A_692 = arith.constant true
          %broadcast_in_dim3A_693 = vector.broadcast %broadcast_in_dim3A_692 : i1 to vector<16xi1>
          %masked_cumsum3A_694 = tpu.scan <sum>, %add3A_691 masked %broadcast_in_dim3A_693 : vector<16xf32>, vector<16xi1> -> vector<16xf32>
          %mul3A_695 = arith.constant 16 : i32
          %mul3A_696 = arith.muli %scan3A_96, %mul3A_695 : i32
          %add3A_697 = arith.addi %add3A_89, %mul3A_696 : i32
          %add3A_698 = arith.constant 12 : i32
          %add3A_699 = arith.addi %add3A_697, %add3A_698 : i32
          %broadcast_in_dim3A_700 = vector.broadcast %add3A_699 : i32 to vector<16xi32>
          %eq3A_701 = arith.constant 15 : i32
          %eq3A_702 = vector.broadcast %eq3A_701 : i32 to vector<16xi32>
          %eq3A_703 = arith.cmpi eq, %iota3A, %eq3A_702 : vector<16xi32>
          tpu.vector_store_idx %arg12[%broadcast_in_dim3A_700], %masked_cumsum3A_694 masked %eq3A_703 : memref<32768xf32, #tpu.memory_space<vmem>>[vector<16xi32>], vector<16xf32>, vector<16xi1>
          %mul3A_704 = arith.constant 16 : i32
          %mul3A_705 = arith.muli %scan3A_96, %mul3A_704 : i32
          %add3A_706 = arith.constant 13 : i32
          %add3A_707 = arith.addi %mul3A_705, %add3A_706 : i32
          %get3A_708 = arith.index_cast %add3A_707 : i32 to index
          %get3A_709 = arith.constant 0 : index
          %get3A_710 = tpu.vector_load %arg9[%get3A_708, %get3A_709] {strides = array<i32>} : memref<256x64xf32, #tpu.memory_space<vmem>>, vector<16xf32>,
          %get3A_711 = arith.index_cast %add3A_707 : i32 to index
          %get3A_712 = arith.constant 0 : index
          %get3A_713 = tpu.vector_load %arg11[%get3A_711, %get3A_712] {strides = array<i32>} : memref<256x64xf32, #tpu.memory_space<vmem>>, vector<16xf32>,
          %mul3A_714 = arith.mulf %get3A_710, %get3A_713 : vector<16xf32>
          %get3A_715 = arith.index_cast %add3A_707 : i32 to index
          %get3A_716 = arith.constant 16 : index
          %get3A_717 = tpu.vector_load %arg9[%get3A_715, %get3A_716] {strides = array<i32>} : memref<256x64xf32, #tpu.memory_space<vmem>>, vector<16xf32>,
          %get3A_718 = arith.index_cast %add3A_707 : i32 to index
          %get3A_719 = arith.constant 16 : index
          %get3A_720 = tpu.vector_load %arg11[%get3A_718, %get3A_719] {strides = array<i32>} : memref<256x64xf32, #tpu.memory_space<vmem>>, vector<16xf32>,
          %mul3A_721 = arith.mulf %get3A_717, %get3A_720 : vector<16xf32>
          %add3A_722 = arith.addf %mul3A_714, %mul3A_721 : vector<16xf32>
          %get3A_723 = arith.index_cast %add3A_707 : i32 to index
          %get3A_724 = arith.constant 32 : index
          %get3A_725 = tpu.vector_load %arg9[%get3A_723, %get3A_724] {strides = array<i32>} : memref<256x64xf32, #tpu.memory_space<vmem>>, vector<16xf32>,
          %get3A_726 = arith.index_cast %add3A_707 : i32 to index
          %get3A_727 = arith.constant 32 : index
          %get3A_728 = tpu.vector_load %arg11[%get3A_726, %get3A_727] {strides = array<i32>} : memref<256x64xf32, #tpu.memory_space<vmem>>, vector<16xf32>,
          %mul3A_729 = arith.mulf %get3A_725, %get3A_728 : vector<16xf32>
          %add3A_730 = arith.addf %add3A_722, %mul3A_729 : vector<16xf32>
          %get3A_731 = arith.index_cast %add3A_707 : i32 to index
          %get3A_732 = arith.constant 48 : index
          %get3A_733 = tpu.vector_load %arg9[%get3A_731, %get3A_732] {strides = array<i32>} : memref<256x64xf32, #tpu.memory_space<vmem>>, vector<16xf32>,
          %get3A_734 = arith.index_cast %add3A_707 : i32 to index
          %get3A_735 = arith.constant 48 : index
          %get3A_736 = tpu.vector_load %arg11[%get3A_734, %get3A_735] {strides = array<i32>} : memref<256x64xf32, #tpu.memory_space<vmem>>, vector<16xf32>,
          %mul3A_737 = arith.mulf %get3A_733, %get3A_736 : vector<16xf32>
          %add3A_738 = arith.addf %add3A_730, %mul3A_737 : vector<16xf32>
          %broadcast_in_dim3A_739 = arith.constant true
          %broadcast_in_dim3A_740 = vector.broadcast %broadcast_in_dim3A_739 : i1 to vector<16xi1>
          %masked_cumsum3A_741 = tpu.scan <sum>, %add3A_738 masked %broadcast_in_dim3A_740 : vector<16xf32>, vector<16xi1> -> vector<16xf32>
          %mul3A_742 = arith.constant 16 : i32
          %mul3A_743 = arith.muli %scan3A_96, %mul3A_742 : i32
          %add3A_744 = arith.addi %add3A_89, %mul3A_743 : i32
          %add3A_745 = arith.constant 13 : i32
          %add3A_746 = arith.addi %add3A_744, %add3A_745 : i32
          %broadcast_in_dim3A_747 = vector.broadcast %add3A_746 : i32 to vector<16xi32>
          %eq3A_748 = arith.constant 15 : i32
          %eq3A_749 = vector.broadcast %eq3A_748 : i32 to vector<16xi32>
          %eq3A_750 = arith.cmpi eq, %iota3A, %eq3A_749 : vector<16xi32>
          tpu.vector_store_idx %arg12[%broadcast_in_dim3A_747], %masked_cumsum3A_741 masked %eq3A_750 : memref<32768xf32, #tpu.memory_space<vmem>>[vector<16xi32>], vector<16xf32>, vector<16xi1>
          %mul3A_751 = arith.constant 16 : i32
          %mul3A_752 = arith.muli %scan3A_96, %mul3A_751 : i32
          %add3A_753 = arith.constant 14 : i32
          %add3A_754 = arith.addi %mul3A_752, %add3A_753 : i32
          %get3A_755 = arith.index_cast %add3A_754 : i32 to index
          %get3A_756 = arith.constant 0 : index
          %get3A_757 = tpu.vector_load %arg9[%get3A_755, %get3A_756] {strides = array<i32>} : memref<256x64xf32, #tpu.memory_space<vmem>>, vector<16xf32>,
          %get3A_758 = arith.index_cast %add3A_754 : i32 to index
          %get3A_759 = arith.constant 0 : index
          %get3A_760 = tpu.vector_load %arg11[%get3A_758, %get3A_759] {strides = array<i32>} : memref<256x64xf32, #tpu.memory_space<vmem>>, vector<16xf32>,
          %mul3A_761 = arith.mulf %get3A_757, %get3A_760 : vector<16xf32>
          %get3A_762 = arith.index_cast %add3A_754 : i32 to index
          %get3A_763 = arith.constant 16 : index
          %get3A_764 = tpu.vector_load %arg9[%get3A_762, %get3A_763] {strides = array<i32>} : memref<256x64xf32, #tpu.memory_space<vmem>>, vector<16xf32>,
          %get3A_765 = arith.index_cast %add3A_754 : i32 to index
          %get3A_766 = arith.constant 16 : index
          %get3A_767 = tpu.vector_load %arg11[%get3A_765, %get3A_766] {strides = array<i32>} : memref<256x64xf32, #tpu.memory_space<vmem>>, vector<16xf32>,
          %mul3A_768 = arith.mulf %get3A_764, %get3A_767 : vector<16xf32>
          %add3A_769 = arith.addf %mul3A_761, %mul3A_768 : vector<16xf32>
          %get3A_770 = arith.index_cast %add3A_754 : i32 to index
          %get3A_771 = arith.constant 32 : index
          %get3A_772 = tpu.vector_load %arg9[%get3A_770, %get3A_771] {strides = array<i32>} : memref<256x64xf32, #tpu.memory_space<vmem>>, vector<16xf32>,
          %get3A_773 = arith.index_cast %add3A_754 : i32 to index
          %get3A_774 = arith.constant 32 : index
          %get3A_775 = tpu.vector_load %arg11[%get3A_773, %get3A_774] {strides = array<i32>} : memref<256x64xf32, #tpu.memory_space<vmem>>, vector<16xf32>,
          %mul3A_776 = arith.mulf %get3A_772, %get3A_775 : vector<16xf32>
          %add3A_777 = arith.addf %add3A_769, %mul3A_776 : vector<16xf32>
          %get3A_778 = arith.index_cast %add3A_754 : i32 to index
          %get3A_779 = arith.constant 48 : index
          %get3A_780 = tpu.vector_load %arg9[%get3A_778, %get3A_779] {strides = array<i32>} : memref<256x64xf32, #tpu.memory_space<vmem>>, vector<16xf32>,
          %get3A_781 = arith.index_cast %add3A_754 : i32 to index
          %get3A_782 = arith.constant 48 : index
          %get3A_783 = tpu.vector_load %arg11[%get3A_781, %get3A_782] {strides = array<i32>} : memref<256x64xf32, #tpu.memory_space<vmem>>, vector<16xf32>,
          %mul3A_784 = arith.mulf %get3A_780, %get3A_783 : vector<16xf32>
          %add3A_785 = arith.addf %add3A_777, %mul3A_784 : vector<16xf32>
          %broadcast_in_dim3A_786 = arith.constant true
          %broadcast_in_dim3A_787 = vector.broadcast %broadcast_in_dim3A_786 : i1 to vector<16xi1>
          %masked_cumsum3A_788 = tpu.scan <sum>, %add3A_785 masked %broadcast_in_dim3A_787 : vector<16xf32>, vector<16xi1> -> vector<16xf32>
          %mul3A_789 = arith.constant 16 : i32
          %mul3A_790 = arith.muli %scan3A_96, %mul3A_789 : i32
          %add3A_791 = arith.addi %add3A_89, %mul3A_790 : i32
          %add3A_792 = arith.constant 14 : i32
          %add3A_793 = arith.addi %add3A_791, %add3A_792 : i32
          %broadcast_in_dim3A_794 = vector.broadcast %add3A_793 : i32 to vector<16xi32>
          %eq3A_795 = arith.constant 15 : i32
          %eq3A_796 = vector.broadcast %eq3A_795 : i32 to vector<16xi32>
          %eq3A_797 = arith.cmpi eq, %iota3A, %eq3A_796 : vector<16xi32>
          tpu.vector_store_idx %arg12[%broadcast_in_dim3A_794], %masked_cumsum3A_788 masked %eq3A_797 : memref<32768xf32, #tpu.memory_space<vmem>>[vector<16xi32>], vector<16xf32>, vector<16xi1>
          %mul3A_798 = arith.constant 16 : i32
          %mul3A_799 = arith.muli %scan3A_96, %mul3A_798 : i32
          %add3A_800 = arith.constant 15 : i32
          %add3A_801 = arith.addi %mul3A_799, %add3A_800 : i32
          %get3A_802 = arith.index_cast %add3A_801 : i32 to index
          %get3A_803 = arith.constant 0 : index
          %get3A_804 = tpu.vector_load %arg9[%get3A_802, %get3A_803] {strides = array<i32>} : memref<256x64xf32, #tpu.memory_space<vmem>>, vector<16xf32>,
          %get3A_805 = arith.index_cast %add3A_801 : i32 to index
          %get3A_806 = arith.constant 0 : index
          %get3A_807 = tpu.vector_load %arg11[%get3A_805, %get3A_806] {strides = array<i32>} : memref<256x64xf32, #tpu.memory_space<vmem>>, vector<16xf32>,
          %mul3A_808 = arith.mulf %get3A_804, %get3A_807 : vector<16xf32>
          %get3A_809 = arith.index_cast %add3A_801 : i32 to index
          %get3A_810 = arith.constant 16 : index
          %get3A_811 = tpu.vector_load %arg9[%get3A_809, %get3A_810] {strides = array<i32>} : memref<256x64xf32, #tpu.memory_space<vmem>>, vector<16xf32>,
          %get3A_812 = arith.index_cast %add3A_801 : i32 to index
          %get3A_813 = arith.constant 16 : index
          %get3A_814 = tpu.vector_load %arg11[%get3A_812, %get3A_813] {strides = array<i32>} : memref<256x64xf32, #tpu.memory_space<vmem>>, vector<16xf32>,
          %mul3A_815 = arith.mulf %get3A_811, %get3A_814 : vector<16xf32>
          %add3A_816 = arith.addf %mul3A_808, %mul3A_815 : vector<16xf32>
          %get3A_817 = arith.index_cast %add3A_801 : i32 to index
          %get3A_818 = arith.constant 32 : index
          %get3A_819 = tpu.vector_load %arg9[%get3A_817, %get3A_818] {strides = array<i32>} : memref<256x64xf32, #tpu.memory_space<vmem>>, vector<16xf32>,
          %get3A_820 = arith.index_cast %add3A_801 : i32 to index
          %get3A_821 = arith.constant 32 : index
          %get3A_822 = tpu.vector_load %arg11[%get3A_820, %get3A_821] {strides = array<i32>} : memref<256x64xf32, #tpu.memory_space<vmem>>, vector<16xf32>,
          %mul3A_823 = arith.mulf %get3A_819, %get3A_822 : vector<16xf32>
          %add3A_824 = arith.addf %add3A_816, %mul3A_823 : vector<16xf32>
          %get3A_825 = arith.index_cast %add3A_801 : i32 to index
          %get3A_826 = arith.constant 48 : index
          %get3A_827 = tpu.vector_load %arg9[%get3A_825, %get3A_826] {strides = array<i32>} : memref<256x64xf32, #tpu.memory_space<vmem>>, vector<16xf32>,
          %get3A_828 = arith.index_cast %add3A_801 : i32 to index
          %get3A_829 = arith.constant 48 : index
          %get3A_830 = tpu.vector_load %arg11[%get3A_828, %get3A_829] {strides = array<i32>} : memref<256x64xf32, #tpu.memory_space<vmem>>, vector<16xf32>,
          %mul3A_831 = arith.mulf %get3A_827, %get3A_830 : vector<16xf32>
          %add3A_832 = arith.addf %add3A_824, %mul3A_831 : vector<16xf32>
          %broadcast_in_dim3A_833 = arith.constant true
          %broadcast_in_dim3A_834 = vector.broadcast %broadcast_in_dim3A_833 : i1 to vector<16xi1>
          %masked_cumsum3A_835 = tpu.scan <sum>, %add3A_832 masked %broadcast_in_dim3A_834 : vector<16xf32>, vector<16xi1> -> vector<16xf32>
          %mul3A_836 = arith.constant 16 : i32
          %mul3A_837 = arith.muli %scan3A_96, %mul3A_836 : i32
          %add3A_838 = arith.addi %add3A_89, %mul3A_837 : i32
          %add3A_839 = arith.constant 15 : i32
          %add3A_840 = arith.addi %add3A_838, %add3A_839 : i32
          %broadcast_in_dim3A_841 = vector.broadcast %add3A_840 : i32 to vector<16xi32>
          %eq3A_842 = arith.constant 15 : i32
          %eq3A_843 = vector.broadcast %eq3A_842 : i32 to vector<16xi32>
          %eq3A_844 = arith.cmpi eq, %iota3A, %eq3A_843 : vector<16xi32>
          tpu.vector_store_idx %arg12[%broadcast_in_dim3A_841], %masked_cumsum3A_835 masked %eq3A_844 : memref<32768xf32, #tpu.memory_space<vmem>>[vector<16xi32>], vector<16xf32>, vector<16xi1>
          %mul3A_845 = arith.constant 16 : i32
          %mul3A_846 = arith.muli %scan3A_96, %mul3A_845 : i32
          %add3A_847 = arith.addi %add3A_89, %mul3A_846 : i32
          %get3A_848 = arith.index_cast %add3A_847 : i32 to index
          %get3A_849 = tpu.vector_load %arg12[%get3A_848] {strides = array<i32>} : memref<32768xf32, #tpu.memory_space<vmem>>, vector<16xf32>,
          %neg3A = arith.constant 0.000000e+00 : f32
          %neg3A_850 = vector.broadcast %neg3A : f32 to vector<16xf32>
          %neg3A_851 = arith.subf %neg3A_850, %get3A_849 : vector<16xf32>
          %exp3A = math.exp %neg3A_851 : vector<16xf32>
          %add3A_852 = arith.constant 1.000000e+00 : f32
          %add3A_853 = vector.broadcast %add3A_852 : f32 to vector<16xf32>
          %add3A_854 = arith.addf %add3A_853, %exp3A : vector<16xf32>
          %div3A = arith.constant 1.000000e+00 : f32
          %div3A_855 = vector.broadcast %div3A : f32 to vector<16xf32>
          %div3A_856 = arith.divf %div3A_855, %add3A_854 : vector<16xf32>
          %mul3A_857 = arith.constant 16 : i32
          %mul3A_858 = arith.muli %scan3A_96, %mul3A_857 : i32
          %add3A_859 = arith.addi %add3A_89, %mul3A_858 : i32
          %swap3A = arith.index_cast %add3A_859 : i32 to index
          %swap3A_860 = tpu.vector_load %arg12[%swap3A] {strides = array<i32>} : memref<32768xf32, #tpu.memory_space<vmem>>, vector<16xf32>,
          tpu.vector_store %arg12[%swap3A], %div3A_856 {strides = array<i32>} : memref<32768xf32, #tpu.memory_space<vmem>>, vector<16xf32>,
        }
        %scan3A_95 = arith.constant 16 : i32
      }
      %scan3A_28 = arith.constant 16 : i32
    }
    %scan3A_7 = arith.constant 4 : i32
    "tpu.region"() ({
      %run_scoped3A = tpu.sem_alloc : memref<!tpu.dma_semaphore, #tpu.memory_space<semaphore_mem>>
      %dma_start3A = tpu.memref_slice %arg5[%mul3A_2] : memref<1048576xf32, #tpu.memory_space<hbm>> -> memref<32768xf32, #tpu.memory_space<hbm>>
      %dma_start3A_8 = tpu.memref_slice %arg5[%mul3A_2] : memref<1048576xf32, #tpu.memory_space<hbm>> -> memref<32768xf32, #tpu.memory_space<hbm>>
      tpu.enqueue_dma source(%arg12 : memref<32768xf32, #tpu.memory_space<vmem>>) target(%dma_start3A_8 : memref<32768xf32, #tpu.memory_space<hbm>>) target_semaphore(%run_scoped3A : memref<!tpu.dma_semaphore, #tpu.memory_space<semaphore_mem>>)
      %dma_wait3A = tpu.memref_slice %arg5[%mul3A_2] : memref<1048576xf32, #tpu.memory_space<hbm>> -> memref<32768xf32, #tpu.memory_space<hbm>>
      %dma_wait3A_9 = tpu.memref_slice %arg5[%mul3A_2] : memref<1048576xf32, #tpu.memory_space<hbm>> -> memref<32768xf32, #tpu.memory_space<hbm>>
      tpu.wait_dma2 semaphore(%run_scoped3A : memref<!tpu.dma_semaphore, #tpu.memory_space<semaphore_mem>>) src(%arg12 : memref<32768xf32, #tpu.memory_space<vmem>>) dst(%dma_wait3A_9 : memref<32768xf32, #tpu.memory_space<hbm>>)
      tpu.yield
    }) : () -> ()
    return
  }
}

</mosaic_0001>

<sc_bundles>
// kernel: kernel.3.cloned.1.call-start
scs
__scs_entry_jumppad:
0x0: {  	(pc) =	sbr.rel $0x88, $3  }
0x1: {  	(tag) =	ssettag $0x0;
	lr =	simm.s32 $0x1  }
0x2: {  	[smem:$0x3F9E] =	sst lr;
	_ =	strace $0xD0000000  }
0x3: {  	_ = 	snop  }
0x4: {  	_ = 	snop  }
0x5: {  	_ = 	snop  }
0x6: {  	_ = 	snop  }
0x7: {  	_ = 	snop  }
__scs_overlays_trampoline_lowered:
0x8: {  	[smem:$0x3FAD] =	sst s0  }
0x9: {  	[smem:$0x3FAE] =	sst s1  }
0xa: {  	[smem:$0x3FAF] =	sst s2  }
0xb: {  	[smem:$0x3FB0] =	sst s3  }
0xc: {  	[smem:$0x3FB1] =	sst s4  }
0xd: {  	[smem:$0x3FB2] =	sst s5  }
0xe: {  	[smem:$0x3FB3] =	sst s6  }
0xf: {  	[smem:$0x3FB4] =	sst s7  }
0x10: {  	[smem:$0x3FB5] =	sst s8  }
0x11: {  	[smem:$0x3FB6] =	sst s9;
	s0 =	simm.s32 @!p0 $0x0  }
0x12: {  	s1 =	sld [smem:$0x3F9C];
	s0 =	simm.s32 @p0 $0x1  }
0x13: {  	[smem:$0x3FB7] =	sst s0;
	s0 =	simm.s32 @!p1 $0x0  }
0x14: {  	s2 =	sld [smem:$0x3F9B];
	s0 =	simm.s32 @p1 $0x1  }
0x15: {  	[smem:$0x3FB8] =	sst s0;
	s0 =	simm.s32 @!p2 $0x0  }
0x16: {  	s3 =	sld [smem:$0x3FDB];
	s0 =	simm.s32 @p2 $0x1  }
0x17: {  	s4 =	simm.s32 $0x1BF5;
	[smem:$0x3FBA] =	sst s0  }
0x18: {  	s0 =	sld [smem:$0x3F9D];
	_ =	swait.ge [sflag:s4], $0x0  }
0x19: {  	s7 =	sld [smem:$0x3F9E]  }
0x1a: {  	s8 =	sadd.s32 $0xFFFFE003, lr  }
0x1b: {  	s9 =	sadd.s32 $0xFFFFFEF7, lr;
	s5 =	simm.s32 $0xFFFFFFFF;
	p2 =	slt.u32 s8, $0xFFFFF086  }
0x1c: {  	p1 =	slt.u32 s9, $0xF7A;
	s5 =	simm.s32 @!p2 $0x0  }
0x1d: {  	s5 =	simm.s32 @p1 $0x1;
	p0 =	seq.s32 s7, s2  }
0x1e: {  	s7 =	smul.u32 @!p0 $0xF7A, s2;
	p2 =	seq.s32 @!p0 s5, $0x0  }
0x1f: {  	s9 =	smul.u32 $0xF7A, s1;
	s8 =	simm.s32 @!p0 $0x1BF5;
	p2 =	por !p2, p0  }
0x20: {  	[sflag:s8] =	ssyncset.s32 @!p0 $0xFFFFF086;
	s6 =	sadd.s32 @!p0 s3, s7;
	s7 =	simm.s32 @!p0 $0x108  }
0x21: {  	s3 =	sadd.s32 s3, s9;
	s6 =	sadd.s32 @!p0 $0x88, s6;
	s7 =	simm.s32 @p2 $0x1082  }
0x22: {  	[simem:s7], [sflag:s8] =	dma.local @!p0 [hbm:s6], $0xF7A  }
0x23: {  	s9 =	sor.u32 $0xD0000000, s2;
	s6 =	simm.s32 $0x108;
	_ =	swait.ge @!p0 [sflag:s8], $0x0  }
0x24: {  	s3 =	sadd.s32 $0x88, s3;
	s6 =	simm.s32 @!p1 $0x1082;
	[sflag:s4] =	ssyncset.s32 $0xFFFFF086  }
0x25: {  	[simem:s6], [sflag:s4] =	dma.local [hbm:s3], $0xF7A  }
0x26: {  	[smem:$0x3F9E] =	sst s1;
	(tag) =	ssettag s2;
	_ =	strace s9  }
0x27: {  	s1 =	sld [smem:$0x3FAE]  }
0x28: {  	s2 =	sld [smem:$0x3FAF]  }
0x29: {  	s4 =	sld [smem:$0x3FB1]  }
0x2a: {  	p0 =	seq.s32 s5, $0x0;
	s5 =	sld [smem:$0x3FB2]  }
0x2b: {  	s6 =	sld [smem:$0x3FB3]  }
0x2c: {  	s7 =	sld [smem:$0x3FB4]  }
0x2d: {  	s3 =	simm.s32 $0x108;
	s8 =	sld [smem:$0x3FB5]  }
0x2e: {  	s3 =	simm.s32 @!p0 $0x1082;
	s9 =	sld [smem:$0x3FB6]  }
0x2f: {  	lr =	sadd.s32 s0, s3;
	s0 =	sld [smem:$0x3FAD]  }
0x30: {  	s3 =	sld [smem:$0x3FB0]  }
0x31: {  	[smem:$0x3FB9] =	sst s10  }
0x32: {  	s10 =	sld [smem:$0x3FB7];
	_ =	sdelay $0x3  }
0x33: {  	p0 =	seq.s32 s10, $0x1;
	s10 =	sld [smem:$0x3FB9];
	_ =	sdelay $0x3  }
0x34: {  	[smem:$0x3FB9] =	sst s10  }
0x35: {  	s10 =	sld [smem:$0x3FB8];
	_ =	sdelay $0x3  }
0x36: {  	p1 =	seq.s32 s10, $0x1;
	s10 =	sld [smem:$0x3FB9];
	_ =	sdelay $0x3  }
0x37: {  	[smem:$0x3FB9] =	sst s10  }
0x38: {  	s10 =	sld [smem:$0x3FBA]  }
0x39: {  	_ = 	snop;
	(pc) =	sbr.ind lr, $3  }
0x3a: {  	_ = 	snop  }
0x3b: {  	_ = 	snop  }
0x3c: {  	p2 =	seq.s32 s10, $0x1;
	s10 =	sld [smem:$0x3FB9]  }
0x3d: {  	_ =	shalt  }
0x3e: {  	_ =	shalt  }
0x3f: {  	_ =	shalt  }
0x40: {  	_ =	shalt  }
0x41: {  	_ =	shalt  }
0x42: {  	_ =	shalt  }
0x43: {  	_ =	shalt  }
0x44: {  	_ =	shalt  }
0x45: {  	_ =	shalt  }
0x46: {  	_ =	shalt  }
0x47: {  	_ =	shalt  }
0x48: {  	_ =	shalt  }
0x49: {  	_ =	shalt  }
0x4a: {  	_ =	shalt  }
0x4b: {  	_ =	shalt  }
0x4c: {  	_ =	shalt  }
0x4d: {  	_ =	shalt  }
0x4e: {  	_ =	shalt  }
0x4f: {  	_ =	shalt  }
0x50: {  	_ =	shalt  }
0x51: {  	_ =	shalt  }
0x52: {  	_ =	shalt  }
0x53: {  	_ =	shalt  }
0x54: {  	_ =	shalt  }
0x55: {  	_ =	shalt  }
0x56: {  	_ =	shalt  }
0x57: {  	_ =	shalt  }
0x58: {  	_ =	shalt  }
0x59: {  	_ =	shalt  }
0x5a: {  	_ =	shalt  }
0x5b: {  	_ =	shalt  }
0x5c: {  	_ =	shalt  }
0x5d: {  	_ =	shalt  }
0x5e: {  	_ =	shalt  }
0x5f: {  	_ =	shalt  }
0x60: {  	_ =	shalt  }
0x61: {  	_ =	shalt  }
0x62: {  	_ =	shalt  }
0x63: {  	_ =	shalt  }
0x64: {  	_ =	shalt  }
0x65: {  	_ =	shalt  }
0x66: {  	_ =	shalt  }
0x67: {  	_ =	shalt  }
0x68: {  	_ =	shalt  }
0x69: {  	_ =	shalt  }
0x6a: {  	_ =	shalt  }
0x6b: {  	_ =	shalt  }
0x6c: {  	_ =	shalt  }
0x6d: {  	_ =	shalt  }
0x6e: {  	_ =	shalt  }
0x6f: {  	_ =	shalt  }
0x70: {  	_ =	shalt  }
0x71: {  	_ =	shalt  }
0x72: {  	_ =	shalt  }
0x73: {  	_ =	shalt  }
0x74: {  	_ =	shalt  }
0x75: {  	_ =	shalt  }
0x76: {  	_ =	shalt  }
0x77: {  	_ =	shalt  }
0x78: {  	_ =	shalt  }
0x79: {  	_ =	shalt  }
0x7a: {  	_ =	shalt  }
0x7b: {  	_ =	shalt  }
0x7c: {  	_ =	shalt  }
0x7d: {  	_ =	shalt  }
0x7e: {  	_ =	shalt  }
0x7f: {  	_ =	shalt  }
0x80: {  	_ =	shalt  }
0x81: {  	_ =	shalt  }
0x82: {  	_ =	shalt  }
0x83: {  	_ =	shalt  }
0x84: {  	_ =	shalt  }
0x85: {  	_ =	shalt  }
0x86: {  	_ =	shalt  }
0x87: {  	_ =	shalt  }
.Lfunc_end0:
.L_simem_size_0:
called_computation_lowered:
.L_overlay_start_0:
0x88: {  	s2 =	sld [smem:$0x3FD9]  }
0x89: {  	s3 =	sld [smem:$0x3FFE];
	_ =	sdelay $0x1  }
0x8a: {  	s1 =	srdreg.scid  }
0x8b: {  	s0 =	sand.u32 $0x1, s1  }
0x8c: {  	s17 =	sshll.u32 s0, $0xA;
	s2 =	sadd.s32 s3, s2  }
0x8d: {  	s2 =	sadd.s32 s2, s17  }
0x8e: {  	[smem:$0x3FC5] =	sst s2  }
0x8f: {  	_ = 	snop  }
0x90: {  	s2 =	sld [smem:$0x3FD0];
	(tm) =	ssettm $0x1  }
0x91: {  	s18 =	sld [smem:$0x3FFB];
	_ =	sdelay $0x3  }
0x92: {  	_ =	strace s18  }
0x93: {  	s3 =	sld [smem:$0x3FFC];
	_ =	sdelay $0x3  }
0x94: {  	_ =	strace s3  }
0x95: {  	s3 =	sld [smem:$0x3FFD];
	_ =	sdelay $0x3  }
0x96: {  	_ =	strace s3  }
0x97: {  	_ =	strace $0x8FFFFFFF  }
0x98: {  	s19 =	sld [smem:$0x3FDB];
	_ =	sdelay $0x1  }
0x99: {  	s4 =	simm.s32 $_scs_section_size  }
0x9a: {  	s5 =	simm.s32 $_size__tile_overlayer_lowered;
	s6 =	simm.s32 $_tile_overlayer_lowered  }
0x9b: {  	s22 =	simm.s32 $0x1BFF;
	s21 =	sshll.u32 s6, $0x1;
	s3 =	sadd.s32 s4, s19  }
0x9c: {  	s7 =	simm.s32 $0x0;
	s20 =	sshll.u32 s5, $0x1;
	s5 =	sadd.s32 s21, s3  }
0x9d: {  	[timem:s7], [sflag:s22] =	dma.local [hbm:s5], s20  }
0x9e: {  	_ =	swait.ge [sflag:s22], s20  }
0x9f: {  	s4 =	ssub.s32 $0x0, s20;
	[sflag:s22] =	ssyncset.done $0x0  }
0xa0: {  	[sflag:s22] =	ssyncadd.s32 s4;
	_ =	sdelay $0x1  }
0xa1: {  	s23 =	simm.s32 $0x1B8B  }
0xa2: {  	_ =	swait.ge [sflag:s23], $0x1  }
0xa3: {  	[sflag:s23] =	ssyncset.done $0x0  }
0xa4: {  	s25 =	simm.s32 $0x1B8E;
	s24 =	sld [smem:$0x3FFE];
	[sflag:s23] =	ssyncadd.s32 $0xFFFFFFFF  }
0xa5: {  	s26 =	simm.s32 $execute0_lowered;
	[smem:$0x3FD2] =	sst s25  }
0xa6: {  	s5 =	sshll.u32 s26, $0x1;
	_ =	strace $0x80000046;
	[dreg:$0x1] =	wrdreg $0xFFFFFFFF  }
0xa7: {  	s28 =	simm.s32 $_size_execute0_lowered;
	s3 =	sadd.s32 s3, s5;
	[dreg:$0x0] =	wrdreg $0x0  }
0xa8: {  	s5 =	sshll.u32 s28, $0x1;
	[dreg:$0x2] =	wrdreg s3  }
0xa9: {  	[dreg:$0x3] =	wrdreg s5  }
0xaa: {  	[dreg:$0x4] =	wrdreg $0xC0  }
0xab: {  	_ =	task [dreg:s7], $0x5FFFF  }
0xac: {  	[dreg:$0x1] =	wrdreg $0xFFFFFFFF  }
0xad: {  	[dreg:$0x0] =	wrdreg $0x60  }
0xae: {  	[dreg:$0x2] =	wrdreg s24  }
0xaf: {  	[dreg:$0x3] =	wrdreg s2  }
0xb0: {  	[dreg:$0x4] =	wrdreg $0x9  }
0xb1: {  	_ =	task.clear_ibuf [dreg:s7], $0x5FFFF;
	_ =	strace $0x90000046  }
0xb2: {  	s29 =	simm.s32 $0x9;
	_ =	strace $0x80000048  }
0xb3: {  	_ =	swait.ge [sflag:s29], $0x1  }
0xb4: {  	[sflag:s29] =	ssyncadd.s32 $0xFFFFFFFF  }
0xb5: {  	_ =	strace $0x90000048  }
0xb6: {  	_ =	sfence  }
0xb7: {  	s30 =	sld [smem:$0x0];
	_ =	sdelay $0x2  }
0xb8: {  	s31 =	sshll.u32 s1, $0xD;
	s1 =	sshrl.u32 s1, $0x2  }
0xb9: {  	s3 =	sand.u32 $0x4000, s31;
	s1 =	sadd.s32 s1, s30  }
0xba: {  	s0 =	sor.u32 s3, s0;
	s1 =	sshll.u32 s1, $0x11  }
0xbb: {  	s0 =	sor.u32 s1, s0  }
0xbc: {  	s0 =	sadd.s32 $0x8F2B, s0  }
0xbd: {  	[sflag:s0] =	ssyncadd.remote.s32 $0x1  }
0xbe: {  	_ =	sfence.sel $0xFFFF  }
0xbf: {  	[dreg:$0x0] =	wrdreg $0xFFFFFFFF;
	(pc) =	sbr.abs _section_cstart, $3  }
0xc0: {  	[dreg:$0x1] =	wrdreg $0xFFFFFFFF  }
0xc1: {  	_ =	task.clear_ibuf [dreg:s7], $0x2FFFF;
	_ =	strace $0x9FFFFFFF  }
0xc2: {  	(tm) =	ssettm $0x7FFFFFFF  }
0xc3: {  	_ =	shalt  }
tec
execute0_lowered:
.L_overlay_start_1:
0x0: {  	(tag) =	ssettag $0x1  }
0x1: {  	s0 =	rddreg [dreg:$0x0]  }
0x2: {  	s1 =	rddreg [dreg:$0x1]  }
0x3: {  	s2 =	simm.s32 $0x0;
	s28 =	srdreg.scid;
	s5 =	stileid.u32  }
0x4: {  	s10 =	simm.s32 $0x5;
	s11 =	simm.s32 $0x2000;
	s12 =	simm.s32 $0x100  }
0x5: {  	s14 =	simm.s32 $0xC000;
	s15 =	simm.s32 $0x8000;
	s16 =	simm.s32 $0x10000  }
0x6: {  	s17 =	simm.s32 $0x1;
	s18 =	simm.s32 $0x3;
	s19 =	simm.s32 $0x14000  }
0x7: {  	s20 =	simm.s32 $0x2;
	[smem:$0x7FF] =	sst s2;
	s2 =	sand.u32 $0x1, s28  }
0x8: {  	s6 =	sshll.u32 s5, $0x10;
	s7 =	ssub.s32 $0x2, s2;
	s2 =	sshll.u32 s2, $0xF  }
0x9: {  	s3 =	sadd.s32 $0x16E3C00, s0;
	s4 =	sadd.s32 $0xF42A00, s0;
	s6 =	sor.u32 s2, s6  }
0xa: {  	s5 =	sadd.s32 $0x600, s0;
	s8 =	sshrl.u32 s7, $0x1;
	s30 =	sshrl.u32 s6, $0x3  }
0xb: {  	s29 =	ssub.s32 s7, s8;
	s7 =	sadd.s32 $0x20600, s0;
	s0 =	sadd.s32 s1, s30  }
0xc: {  	v0 =	vimm.s32 $0x0;
	vm0 =	vcmask $0x300;
	_ =	strace $0x80000047;
	s31 =	smax.u32 s29, $0x1;
	[dreg:$0x3] =	wrdreg s0  }
0xd: {  	s21 =	simm.s32 $0x4;
	v0 =	vsel vm0, $0x3, v0;
	vm0 =	vcmask $0x3F3C;
	s1 =	simm.s32 $0x0;
	[dreg:$0x4] =	wrdreg s31  }
.LBB2_1:
0xe: {  	[dreg:$0x5] =	wrdreg s1;
	s23 =	simm.s32 $0x14100  }
0xf: {  	s8 =	simm.s32 $0x14000;
	s25 =	simm.s32 $0x0;
	s26 =	simm.s32 $0x0  }
.LBB2_2:
0x10: {  	s0 =	sshll.u32 s26, $0xD  }
0x11: {  	s0 =	sor.u32 s6, s0  }
0x12: {  	s0 =	sshrl.u32 s0, $0x3  }
0x13: {  	s28 =	simm.s32 $0x0;
	s1 =	sadd.s32 s5, s0  }
0x14: {  	[tilespmem:s28], [sflag:$0x5] =	stream.linear.gather [hbm4b:s1+s28], $0x2000, $0x38;
	[tilespmem:$0x1C000] =	vst v63  }
0x15: {  	_ =	swait.ge [sflag:s10], $0x2000  }
0x16: {  	[sflag:s10] =	ssyncset.done $0x0  }
0x17: {  	s0 =	sadd.s32 s0, s7;
	[sflag:s10] =	ssyncadd.s32 $0xFFFFE000  }
0x18: {  	[tilespmem:s11], [sflag:$0x5] =	stream.linear.gather [hbm4b:s0+s28], $0x2000, $0x38;
	[tilespmem:$0x1C000] =	vst v63  }
0x19: {  	_ =	swait.ge [sflag:s10], $0x2000  }
0x1a: {  	[sflag:s10] =	ssyncset.done $0x0  }
0x1b: {  	s30 =	simm.s32 $0x4000;
	[sflag:s10] =	ssyncadd.s32 $0xFFFFE000  }
0x1c: {  	[tilespmem:s30], [sflag:$0x1] =	stream.indirect.gather [hbm4b:s3+s12], $0x40, s28, s12, $0xb8;
	[tilespmem:$0x1C000] =	vst v63  }
0x1d: {  	s29 =	smov.u32 s23;
	s24 =	smov.u32 s8;
	s31 =	smov.u32 s25  }
0x1e: {  	[tilespmem:s14], [sflag:$0x3] =	stream.indirect.gather [hbm4b:s4+s12], $0x40, s11, s12, $0xb8;
	[tilespmem:$0x1C000] =	vst v63  }
.LBB2_3:
0x1f: {  	s0 =	sshll.u32 s28, $0x9  }
0x20: {  	s1 =	sor.u32 $0x100, s0  }
0x21: {  	[tilespmem:s15], [sflag:$0x2] =	stream.indirect.gather [hbm4b:s3+s12], $0x40, s1, s12, $0xb8;
	[tilespmem:$0x1C000] =	vst v63  }
0x22: {  	s22 =	sadd.s32 $0x2100, s0  }
0x23: {  	[tilespmem:s16], [sflag:$0x4] =	stream.indirect.gather [hbm4b:s4+s12], $0x40, s22, s12, $0xb8;
	[tilespmem:$0x1C000] =	vst v63  }
0x24: {  	_ =	swait.ge [sflag:s17], $0x4000  }
0x25: {  	[sflag:s17] =	ssyncset.done $0x0  }
0x26: {  	[sflag:s17] =	ssyncadd.s32 $0xFFFFC000  }
0x27: {  	_ =	swait.ge [sflag:s18], $0x4000  }
0x28: {  	s2 =	simm.s32 $0x4200;
	s30 =	smov.u32 s24;
	[sflag:s18] =	ssyncset.done $0x0  }
0x29: {  	s9 =	simm.s32 $0x0;
	s1 =	simm.s32 $0xC200;
	[sflag:s18] =	ssyncadd.s32 $0xFFFFC000  }
.LBB2_4:
0x2a: {  	v1 =	vld [tilespmem:s2+$0xFFFFFE00]  }
0x2b: {  	v2 =	vld [tilespmem:s1+$0xFFFFFE00]  }
0x2c: {  	v3 =	vld [tilespmem:s2+$0xFFFFFE10]  }
0x2d: {  	v4 =	vld [tilespmem:s1+$0xFFFFFE10]  }
0x2e: {  	v5 =	vld [tilespmem:s2+$0xFFFFFE20]  }
0x2f: {  	v6 =	vld [tilespmem:s1+$0xFFFFFE20]  }
0x30: {  	v7 =	vld [tilespmem:s2+$0xFFFFFE30]  }
0x31: {  	v8 =	vld [tilespmem:s1+$0xFFFFFE30]  }
0x32: {  	v1 =	vmul.f32 v2, v1;
	v2 =	vmul.f32 v4, v3;
	_ =	sdelay $0x1  }
0x33: {  	v1 =	vadd.f32 v2, v1;
	v2 =	vmul.f32 v6, v5;
	_ =	sdelay $0x1  }
0x34: {  	v1 =	vadd.f32 v2, v1;
	v2 =	vmul.f32 v8, v7;
	_ =	sdelay $0x1  }
0x35: {  	v1 =	vadd.f32 v2, v1;
	_ =	sdelay $0x1  }
0x36: {  	(xrf2) =	vadd.scan.msk.f32 $0xffff, v1  }
0x37: {  	s22 =	sadd.s32 s9, s31  }
0x38: {  	v1 =	vmov s22  }
0x39: {  	v1 =	vshrl.u32 v1, $0x3  }
0x3a: {  	v1 =	vshll.u32 v1, v0  }
0x3b: {  	v2 =	vbroadcast v1, $0x0;
	_ =	sdelay $0x4  }
0x3c: {  	v3, _, _ =	vpop (xrf2)  }
0x3d: {  	[tilespmem:v2+s19+$0x0] =	vst.idx.msk vm0, v3  }
0x3e: {  	v2 =	vld [tilespmem:s2+$0xFFFFFE40]  }
0x3f: {  	v3 =	vld [tilespmem:s1+$0xFFFFFE40]  }
0x40: {  	v35 =	vld [tilespmem:s2+$0xFFFFFE50]  }
0x41: {  	v36 =	vld [tilespmem:s1+$0xFFFFFE50]  }
0x42: {  	v37 =	vld [tilespmem:s2+$0xFFFFFE60]  }
0x43: {  	v38 =	vld [tilespmem:s1+$0xFFFFFE60]  }
0x44: {  	v39 =	vld [tilespmem:s2+$0xFFFFFE70]  }
0x45: {  	v9 =	vld [tilespmem:s1+$0xFFFFFE70]  }
0x46: {  	v2 =	vmul.f32 v3, v2;
	v3 =	vmul.f32 v36, v35;
	_ =	sdelay $0x1  }
0x47: {  	v2 =	vadd.f32 v3, v2;
	v3 =	vmul.f32 v38, v37;
	_ =	sdelay $0x1  }
0x48: {  	v2 =	vadd.f32 v3, v2;
	v3 =	vmul.f32 v9, v39;
	_ =	sdelay $0x1  }
0x49: {  	v2 =	vadd.f32 v3, v2;
	_ =	sdelay $0x1  }
0x4a: {  	(xrf2) =	vadd.scan.msk.f32 $0xffff, v2;
	_ =	sdelay $0x3  }
0x4b: {  	v2 =	vadd.s32 $0x1, v1  }
0x4c: {  	v2 =	vbroadcast v2, $0x0;
	_ =	sdelay $0x4  }
0x4d: {  	v3, _, _ =	vpop (xrf2)  }
0x4e: {  	[tilespmem:v2+s19+$0x0] =	vst.idx.msk vm0, v3  }
0x4f: {  	v2 =	vld [tilespmem:s2+$0xFFFFFE80]  }
0x50: {  	v3 =	vld [tilespmem:s1+$0xFFFFFE80]  }
0x51: {  	v40 =	vld [tilespmem:s2+$0xFFFFFE90]  }
0x52: {  	v41 =	vld [tilespmem:s1+$0xFFFFFE90]  }
0x53: {  	v42 =	vld [tilespmem:s2+$0xFFFFFEA0]  }
0x54: {  	v43 =	vld [tilespmem:s1+$0xFFFFFEA0]  }
0x55: {  	v44 =	vld [tilespmem:s2+$0xFFFFFEB0]  }
0x56: {  	v45 =	vld [tilespmem:s1+$0xFFFFFEB0]  }
0x57: {  	v2 =	vmul.f32 v3, v2;
	v3 =	vmul.f32 v41, v40;
	_ =	sdelay $0x1  }
0x58: {  	v2 =	vadd.f32 v3, v2;
	v3 =	vmul.f32 v43, v42;
	_ =	sdelay $0x1  }
0x59: {  	v2 =	vadd.f32 v3, v2;
	v3 =	vmul.f32 v45, v44;
	_ =	sdelay $0x1  }
0x5a: {  	v2 =	vadd.f32 v3, v2;
	_ =	sdelay $0x1  }
0x5b: {  	(xrf2) =	vadd.scan.msk.f32 $0xffff, v2;
	_ =	sdelay $0x3  }
0x5c: {  	v2 =	vadd.s32 $0x2, v1  }
0x5d: {  	v2 =	vbroadcast v2, $0x0;
	_ =	sdelay $0x4  }
0x5e: {  	v3, _, _ =	vpop (xrf2)  }
0x5f: {  	[tilespmem:v2+s19+$0x0] =	vst.idx.msk vm0, v3  }
0x60: {  	v2 =	vld [tilespmem:s2+$0xFFFFFEC0]  }
0x61: {  	v3 =	vld [tilespmem:s1+$0xFFFFFEC0]  }
0x62: {  	v46 =	vld [tilespmem:s2+$0xFFFFFED0]  }
0x63: {  	v47 =	vld [tilespmem:s1+$0xFFFFFED0]  }
0x64: {  	v48 =	vld [tilespmem:s2+$0xFFFFFEE0]  }
0x65: {  	v49 =	vld [tilespmem:s1+$0xFFFFFEE0]  }
0x66: {  	v50 =	vld [tilespmem:s2+$0xFFFFFEF0]  }
0x67: {  	v51 =	vld [tilespmem:s1+$0xFFFFFEF0]  }
0x68: {  	v2 =	vmul.f32 v3, v2;
	v3 =	vmul.f32 v47, v46;
	_ =	sdelay $0x1  }
0x69: {  	v2 =	vadd.f32 v3, v2;
	v3 =	vmul.f32 v49, v48;
	_ =	sdelay $0x1  }
0x6a: {  	v2 =	vadd.f32 v3, v2;
	v3 =	vmul.f32 v51, v50;
	_ =	sdelay $0x1  }
0x6b: {  	v2 =	vadd.f32 v3, v2;
	_ =	sdelay $0x1  }
0x6c: {  	(xrf2) =	vadd.scan.msk.f32 $0xffff, v2;
	_ =	sdelay $0x3  }
0x6d: {  	v2 =	vadd.s32 $0x3, v1  }
0x6e: {  	v2 =	vbroadcast v2, $0x0;
	_ =	sdelay $0x4  }
0x6f: {  	v3, _, _ =	vpop (xrf2)  }
0x70: {  	[tilespmem:v2+s19+$0x0] =	vst.idx.msk vm0, v3  }
0x71: {  	v2 =	vld [tilespmem:s2+$0xFFFFFF00]  }
0x72: {  	v3 =	vld [tilespmem:s1+$0xFFFFFF00]  }
0x73: {  	v52 =	vld [tilespmem:s2+$0xFFFFFF10]  }
0x74: {  	v53 =	vld [tilespmem:s1+$0xFFFFFF10]  }
0x75: {  	v54 =	vld [tilespmem:s2+$0xFFFFFF20]  }
0x76: {  	v55 =	vld [tilespmem:s1+$0xFFFFFF20]  }
0x77: {  	v56 =	vld [tilespmem:s2+$0xFFFFFF30]  }
0x78: {  	v57 =	vld [tilespmem:s1+$0xFFFFFF30]  }
0x79: {  	v2 =	vmul.f32 v3, v2;
	v3 =	vmul.f32 v53, v52;
	_ =	sdelay $0x1  }
0x7a: {  	v2 =	vadd.f32 v3, v2;
	v3 =	vmul.f32 v55, v54;
	_ =	sdelay $0x1  }
0x7b: {  	v2 =	vadd.f32 v3, v2;
	v3 =	vmul.f32 v57, v56;
	_ =	sdelay $0x1  }
0x7c: {  	v2 =	vadd.f32 v3, v2;
	_ =	sdelay $0x1  }
0x7d: {  	(xrf2) =	vadd.scan.msk.f32 $0xffff, v2;
	_ =	sdelay $0x3  }
0x7e: {  	v2 =	vadd.s32 $0x4, v1  }
0x7f: {  	v2 =	vbroadcast v2, $0x0;
	_ =	sdelay $0x4  }
0x80: {  	v3, _, _ =	vpop (xrf2)  }
0x81: {  	[tilespmem:v2+s19+$0x0] =	vst.idx.msk vm0, v3  }
0x82: {  	v2 =	vld [tilespmem:s2+$0xFFFFFF40]  }
0x83: {  	v3 =	vld [tilespmem:s1+$0xFFFFFF40]  }
0x84: {  	v58 =	vld [tilespmem:s2+$0xFFFFFF50]  }
0x85: {  	v59 =	vld [tilespmem:s1+$0xFFFFFF50]  }
0x86: {  	v60 =	vld [tilespmem:s2+$0xFFFFFF60]  }
0x87: {  	v61 =	vld [tilespmem:s1+$0xFFFFFF60]  }
0x88: {  	v62 =	vld [tilespmem:s2+$0xFFFFFF70]  }
0x89: {  	v63 =	vld [tilespmem:s1+$0xFFFFFF70]  }
0x8a: {  	v2 =	vmul.f32 v3, v2;
	v3 =	vmul.f32 v59, v58;
	_ =	sdelay $0x1  }
0x8b: {  	v2 =	vadd.f32 v3, v2;
	v3 =	vmul.f32 v61, v60;
	_ =	sdelay $0x1  }
0x8c: {  	v2 =	vadd.f32 v3, v2;
	v3 =	vmul.f32 v63, v62;
	_ =	sdelay $0x1  }
0x8d: {  	v2 =	vadd.f32 v3, v2;
	_ =	sdelay $0x1  }
0x8e: {  	(xrf2) =	vadd.scan.msk.f32 $0xffff, v2;
	_ =	sdelay $0x3  }
0x8f: {  	v2 =	vadd.s32 $0x5, v1  }
0x90: {  	v2 =	vbroadcast v2, $0x0;
	_ =	sdelay $0x4  }
0x91: {  	v3, _, _ =	vpop (xrf2)  }
0x92: {  	[tilespmem:v2+s19+$0x0] =	vst.idx.msk vm0, v3  }
0x93: {  	v2 =	vld [tilespmem:s2+$0xFFFFFF80]  }
0x94: {  	v3 =	vld [tilespmem:s1+$0xFFFFFF80]  }
0x95: {  	v12 =	vld [tilespmem:s2+$0xFFFFFF90]  }
0x96: {  	v13 =	vld [tilespmem:s1+$0xFFFFFF90]  }
0x97: {  	v14 =	vld [tilespmem:s2+$0xFFFFFFA0]  }
0x98: {  	v15 =	vld [tilespmem:s1+$0xFFFFFFA0]  }
0x99: {  	v16 =	vld [tilespmem:s2+$0xFFFFFFB0]  }
0x9a: {  	v17 =	vld [tilespmem:s1+$0xFFFFFFB0]  }
0x9b: {  	v2 =	vmul.f32 v3, v2;
	v3 =	vmul.f32 v13, v12;
	_ =	sdelay $0x1  }
0x9c: {  	v2 =	vadd.f32 v3, v2;
	v3 =	vmul.f32 v15, v14;
	_ =	sdelay $0x1  }
0x9d: {  	v2 =	vadd.f32 v3, v2;
	v3 =	vmul.f32 v17, v16;
	_ =	sdelay $0x1  }
0x9e: {  	v2 =	vadd.f32 v3, v2;
	_ =	sdelay $0x1  }
0x9f: {  	(xrf2) =	vadd.scan.msk.f32 $0xffff, v2;
	_ =	sdelay $0x3  }
0xa0: {  	v2 =	vadd.s32 $0x6, v1  }
0xa1: {  	v2 =	vbroadcast v2, $0x0;
	_ =	sdelay $0x4  }
0xa2: {  	v3, _, _ =	vpop (xrf2)  }
0xa3: {  	[tilespmem:v2+s19+$0x0] =	vst.idx.msk vm0, v3  }
0xa4: {  	v2 =	vld [tilespmem:s2+$0xFFFFFFC0]  }
0xa5: {  	v3 =	vld [tilespmem:s1+$0xFFFFFFC0]  }
0xa6: {  	v18 =	vld [tilespmem:s2+$0xFFFFFFD0]  }
0xa7: {  	v19 =	vld [tilespmem:s1+$0xFFFFFFD0]  }
0xa8: {  	v20 =	vld [tilespmem:s2+$0xFFFFFFE0]  }
0xa9: {  	v21 =	vld [tilespmem:s1+$0xFFFFFFE0]  }
0xaa: {  	v22 =	vld [tilespmem:s2+$0xFFFFFFF0]  }
0xab: {  	v23 =	vld [tilespmem:s1+$0xFFFFFFF0]  }
0xac: {  	v2 =	vmul.f32 v3, v2;
	v3 =	vmul.f32 v19, v18;
	_ =	sdelay $0x1  }
0xad: {  	v2 =	vadd.f32 v3, v2;
	v3 =	vmul.f32 v21, v20;
	_ =	sdelay $0x1  }
0xae: {  	v2 =	vadd.f32 v3, v2;
	v3 =	vmul.f32 v23, v22;
	_ =	sdelay $0x1  }
0xaf: {  	v2 =	vadd.f32 v3, v2;
	_ =	sdelay $0x1  }
0xb0: {  	(xrf2) =	vadd.scan.msk.f32 $0xffff, v2;
	_ =	sdelay $0x3  }
0xb1: {  	v1 =	vadd.s32 $0x7, v1  }
0xb2: {  	v1 =	vbroadcast v1, $0x0;
	_ =	sdelay $0x4  }
0xb3: {  	v2, _, _ =	vpop (xrf2)  }
0xb4: {  	[tilespmem:v1+s19+$0x0] =	vst.idx.msk vm0, v2  }
0xb5: {  	v1 =	vld [tilespmem:s2+$0x0]  }
0xb6: {  	v2 =	vld [tilespmem:s1+$0x0]  }
0xb7: {  	v3 =	vld [tilespmem:s2+$0x10]  }
0xb8: {  	v24 =	vld [tilespmem:s1+$0x10]  }
0xb9: {  	v25 =	vld [tilespmem:s2+$0x20]  }
0xba: {  	v26 =	vld [tilespmem:s1+$0x20]  }
0xbb: {  	v27 =	vld [tilespmem:s2+$0x30]  }
0xbc: {  	v28 =	vld [tilespmem:s1+$0x30]  }
0xbd: {  	v1 =	vmul.f32 v2, v1;
	v2 =	vmul.f32 v24, v3;
	_ =	sdelay $0x1  }
0xbe: {  	v1 =	vadd.f32 v2, v1;
	v2 =	vmul.f32 v26, v25;
	_ =	sdelay $0x1  }
0xbf: {  	v1 =	vadd.f32 v2, v1;
	v2 =	vmul.f32 v28, v27;
	_ =	sdelay $0x1  }
0xc0: {  	v1 =	vadd.f32 v2, v1;
	_ =	sdelay $0x1  }
0xc1: {  	(xrf2) =	vadd.scan.msk.f32 $0xffff, v1  }
0xc2: {  	s13 =	sadd.s32 $0x8, s22  }
0xc3: {  	v1 =	vmov s13  }
0xc4: {  	v1 =	vshrl.u32 v1, $0x3  }
0xc5: {  	v1 =	vshll.u32 v1, v0  }
0xc6: {  	v1 =	vbroadcast v1, $0x0;
	_ =	sdelay $0x4  }
0xc7: {  	v2, _, _ =	vpop (xrf2)  }
0xc8: {  	[tilespmem:v1+s19+$0x0] =	vst.idx.msk vm0, v2  }
0xc9: {  	v1 =	vld [tilespmem:s2+$0x40]  }
0xca: {  	v2 =	vld [tilespmem:s1+$0x40]  }
0xcb: {  	v3 =	vld [tilespmem:s2+$0x50]  }
0xcc: {  	v29 =	vld [tilespmem:s1+$0x50]  }
0xcd: {  	v30 =	vld [tilespmem:s2+$0x60]  }
0xce: {  	v31 =	vld [tilespmem:s1+$0x60]  }
0xcf: {  	v32 =	vld [tilespmem:s2+$0x70]  }
0xd0: {  	v33 =	vld [tilespmem:s1+$0x70]  }
0xd1: {  	v1 =	vmul.f32 v2, v1;
	v2 =	vmul.f32 v29, v3;
	_ =	sdelay $0x1  }
0xd2: {  	v1 =	vadd.f32 v2, v1;
	v2 =	vmul.f32 v31, v30;
	_ =	sdelay $0x1  }
0xd3: {  	v1 =	vadd.f32 v2, v1;
	v2 =	vmul.f32 v33, v32;
	_ =	sdelay $0x1  }
0xd4: {  	v1 =	vadd.f32 v2, v1;
	_ =	sdelay $0x1  }
0xd5: {  	s13 =	sadd.s32 $0x9, s22;
	(xrf2) =	vadd.scan.msk.f32 $0xffff, v1  }
0xd6: {  	v1 =	vmov s13  }
0xd7: {  	v1 =	vshrl.u32 v1, $0x3  }
0xd8: {  	v1 =	vshll.u32 v1, v0  }
0xd9: {  	v1 =	vadd.s32 $0x1, v1  }
0xda: {  	v1 =	vbroadcast v1, $0x0;
	_ =	sdelay $0x4  }
0xdb: {  	v2, _, _ =	vpop (xrf2)  }
0xdc: {  	[tilespmem:v1+s19+$0x0] =	vst.idx.msk vm0, v2  }
0xdd: {  	v1 =	vld [tilespmem:s2+$0x80]  }
0xde: {  	v2 =	vld [tilespmem:s1+$0x80]  }
0xdf: {  	v3 =	vld [tilespmem:s2+$0x90]  }
0xe0: {  	v34 =	vld [tilespmem:s1+$0x90]  }
0xe1: {  	v35 =	vld [tilespmem:s2+$0xA0]  }
0xe2: {  	v36 =	vld [tilespmem:s1+$0xA0]  }
0xe3: {  	v37 =	vld [tilespmem:s2+$0xB0]  }
0xe4: {  	v38 =	vld [tilespmem:s1+$0xB0]  }
0xe5: {  	v1 =	vmul.f32 v2, v1;
	v2 =	vmul.f32 v34, v3;
	_ =	sdelay $0x1  }
0xe6: {  	v1 =	vadd.f32 v2, v1;
	v2 =	vmul.f32 v36, v35;
	_ =	sdelay $0x1  }
0xe7: {  	v1 =	vadd.f32 v2, v1;
	v2 =	vmul.f32 v38, v37;
	_ =	sdelay $0x1  }
0xe8: {  	v1 =	vadd.f32 v2, v1;
	_ =	sdelay $0x1  }
0xe9: {  	s13 =	sadd.s32 $0xA, s22;
	(xrf2) =	vadd.scan.msk.f32 $0xffff, v1  }
0xea: {  	v1 =	vmov s13  }
0xeb: {  	v1 =	vshrl.u32 v1, $0x3  }
0xec: {  	v1 =	vshll.u32 v1, v0  }
0xed: {  	v1 =	vadd.s32 $0x2, v1  }
0xee: {  	v1 =	vbroadcast v1, $0x0;
	_ =	sdelay $0x4  }
0xef: {  	v2, _, _ =	vpop (xrf2)  }
0xf0: {  	[tilespmem:v1+s19+$0x0] =	vst.idx.msk vm0, v2  }
0xf1: {  	v1 =	vld [tilespmem:s2+$0xC0]  }
0xf2: {  	v2 =	vld [tilespmem:s1+$0xC0]  }
0xf3: {  	v3 =	vld [tilespmem:s2+$0xD0]  }
0xf4: {  	v39 =	vld [tilespmem:s1+$0xD0]  }
0xf5: {  	v40 =	vld [tilespmem:s2+$0xE0]  }
0xf6: {  	v41 =	vld [tilespmem:s1+$0xE0]  }
0xf7: {  	v42 =	vld [tilespmem:s2+$0xF0]  }
0xf8: {  	v43 =	vld [tilespmem:s1+$0xF0]  }
0xf9: {  	v1 =	vmul.f32 v2, v1;
	v2 =	vmul.f32 v39, v3;
	_ =	sdelay $0x1  }
0xfa: {  	v1 =	vadd.f32 v2, v1;
	v2 =	vmul.f32 v41, v40;
	_ =	sdelay $0x1  }
0xfb: {  	v1 =	vadd.f32 v2, v1;
	v2 =	vmul.f32 v43, v42;
	_ =	sdelay $0x1  }
0xfc: {  	v1 =	vadd.f32 v2, v1;
	_ =	sdelay $0x1  }
0xfd: {  	s13 =	sadd.s32 $0xB, s22;
	(xrf2) =	vadd.scan.msk.f32 $0xffff, v1  }
0xfe: {  	v1 =	vmov s13  }
0xff: {  	v1 =	vshrl.u32 v1, $0x3  }
0x100: {  	v1 =	vshll.u32 v1, v0  }
0x101: {  	v1 =	vadd.s32 $0x3, v1  }
0x102: {  	v1 =	vbroadcast v1, $0x0;
	_ =	sdelay $0x4  }
0x103: {  	v2, _, _ =	vpop (xrf2)  }
0x104: {  	[tilespmem:v1+s19+$0x0] =	vst.idx.msk vm0, v2  }
0x105: {  	v1 =	vld [tilespmem:s2+$0x100]  }
0x106: {  	v2 =	vld [tilespmem:s1+$0x100]  }
0x107: {  	v3 =	vld [tilespmem:s2+$0x110]  }
0x108: {  	v44 =	vld [tilespmem:s1+$0x110]  }
0x109: {  	v45 =	vld [tilespmem:s2+$0x120]  }
0x10a: {  	v46 =	vld [tilespmem:s1+$0x120]  }
0x10b: {  	v47 =	vld [tilespmem:s2+$0x130]  }
0x10c: {  	v48 =	vld [tilespmem:s1+$0x130]  }
0x10d: {  	v1 =	vmul.f32 v2, v1;
	v2 =	vmul.f32 v44, v3;
	_ =	sdelay $0x1  }
0x10e: {  	v1 =	vadd.f32 v2, v1;
	v2 =	vmul.f32 v46, v45;
	_ =	sdelay $0x1  }
0x10f: {  	v1 =	vadd.f32 v2, v1;
	v2 =	vmul.f32 v48, v47;
	_ =	sdelay $0x1  }
0x110: {  	v1 =	vadd.f32 v2, v1;
	_ =	sdelay $0x1  }
0x111: {  	s13 =	sadd.s32 $0xC, s22;
	(xrf2) =	vadd.scan.msk.f32 $0xffff, v1  }
0x112: {  	v1 =	vmov s13  }
0x113: {  	v1 =	vshrl.u32 v1, $0x3  }
0x114: {  	v1 =	vshll.u32 v1, v0  }
0x115: {  	v1 =	vadd.s32 $0x4, v1  }
0x116: {  	v1 =	vbroadcast v1, $0x0;
	_ =	sdelay $0x4  }
0x117: {  	v2, _, _ =	vpop (xrf2)  }
0x118: {  	[tilespmem:v1+s19+$0x0] =	vst.idx.msk vm0, v2  }
0x119: {  	v1 =	vld [tilespmem:s2+$0x140]  }
0x11a: {  	v2 =	vld [tilespmem:s1+$0x140]  }
0x11b: {  	v3 =	vld [tilespmem:s2+$0x150]  }
0x11c: {  	v49 =	vld [tilespmem:s1+$0x150]  }
0x11d: {  	v50 =	vld [tilespmem:s2+$0x160]  }
0x11e: {  	v51 =	vld [tilespmem:s1+$0x160]  }
0x11f: {  	v52 =	vld [tilespmem:s2+$0x170]  }
0x120: {  	v53 =	vld [tilespmem:s1+$0x170]  }
0x121: {  	v1 =	vmul.f32 v2, v1;
	v2 =	vmul.f32 v49, v3;
	_ =	sdelay $0x1  }
0x122: {  	v1 =	vadd.f32 v2, v1;
	v2 =	vmul.f32 v51, v50;
	_ =	sdelay $0x1  }
0x123: {  	v1 =	vadd.f32 v2, v1;
	v2 =	vmul.f32 v53, v52;
	_ =	sdelay $0x1  }
0x124: {  	v1 =	vadd.f32 v2, v1;
	_ =	sdelay $0x1  }
0x125: {  	s13 =	sadd.s32 $0xD, s22;
	(xrf2) =	vadd.scan.msk.f32 $0xffff, v1  }
0x126: {  	v1 =	vmov s13  }
0x127: {  	v1 =	vshrl.u32 v1, $0x3  }
0x128: {  	v1 =	vshll.u32 v1, v0  }
0x129: {  	v1 =	vadd.s32 $0x5, v1  }
0x12a: {  	v1 =	vbroadcast v1, $0x0;
	_ =	sdelay $0x4  }
0x12b: {  	v2, _, _ =	vpop (xrf2)  }
0x12c: {  	[tilespmem:v1+s19+$0x0] =	vst.idx.msk vm0, v2  }
0x12d: {  	v1 =	vld [tilespmem:s2+$0x180]  }
0x12e: {  	v2 =	vld [tilespmem:s1+$0x180]  }
0x12f: {  	v3 =	vld [tilespmem:s2+$0x190]  }
0x130: {  	v54 =	vld [tilespmem:s1+$0x190]  }
0x131: {  	v55 =	vld [tilespmem:s2+$0x1A0]  }
0x132: {  	v56 =	vld [tilespmem:s1+$0x1A0]  }
0x133: {  	v57 =	vld [tilespmem:s2+$0x1B0]  }
0x134: {  	v58 =	vld [tilespmem:s1+$0x1B0]  }
0x135: {  	v1 =	vmul.f32 v2, v1;
	v2 =	vmul.f32 v54, v3;
	_ =	sdelay $0x1  }
0x136: {  	v1 =	vadd.f32 v2, v1;
	v2 =	vmul.f32 v56, v55;
	_ =	sdelay $0x1  }
0x137: {  	v1 =	vadd.f32 v2, v1;
	v2 =	vmul.f32 v58, v57;
	_ =	sdelay $0x1  }
0x138: {  	v1 =	vadd.f32 v2, v1;
	_ =	sdelay $0x1  }
0x139: {  	s13 =	sadd.s32 $0xE, s22;
	(xrf2) =	vadd.scan.msk.f32 $0xffff, v1  }
0x13a: {  	v1 =	vmov s13  }
0x13b: {  	v1 =	vshrl.u32 v1, $0x3  }
0x13c: {  	v1 =	vshll.u32 v1, v0  }
0x13d: {  	v1 =	vadd.s32 $0x6, v1  }
0x13e: {  	v1 =	vbroadcast v1, $0x0;
	_ =	sdelay $0x4  }
0x13f: {  	v2, _, _ =	vpop (xrf2)  }
0x140: {  	[tilespmem:v1+s19+$0x0] =	vst.idx.msk vm0, v2  }
0x141: {  	v1 =	vld [tilespmem:s2+$0x1C0]  }
0x142: {  	v2 =	vld [tilespmem:s1+$0x1C0]  }
0x143: {  	v3 =	vld [tilespmem:s2+$0x1D0]  }
0x144: {  	v59 =	vld [tilespmem:s1+$0x1D0]  }
0x145: {  	v60 =	vld [tilespmem:s2+$0x1E0]  }
0x146: {  	v61 =	vld [tilespmem:s1+$0x1E0]  }
0x147: {  	v62 =	vld [tilespmem:s2+$0x1F0]  }
0x148: {  	v63 =	vld [tilespmem:s1+$0x1F0]  }
0x149: {  	v1 =	vmul.f32 v2, v1;
	v2 =	vmul.f32 v59, v3;
	_ =	sdelay $0x1  }
0x14a: {  	v1 =	vadd.f32 v2, v1;
	v2 =	vmul.f32 v61, v60;
	_ =	sdelay $0x1  }
0x14b: {  	v1 =	vadd.f32 v2, v1;
	v2 =	vmul.f32 v63, v62;
	_ =	sdelay $0x1  }
0x14c: {  	v1 =	vadd.f32 v2, v1;
	_ =	sdelay $0x1  }
0x14d: {  	s22 =	sadd.s32 $0xF, s22;
	(xrf2) =	vadd.scan.msk.f32 $0xffff, v1  }
0x14e: {  	v1 =	vmov s22  }
0x14f: {  	v1 =	vshrl.u32 v1, $0x3  }
0x150: {  	v1 =	vshll.u32 v1, v0  }
0x151: {  	v1 =	vadd.s32 $0x7, v1  }
0x152: {  	v1 =	vbroadcast v1, $0x0;
	_ =	sdelay $0x4  }
0x153: {  	v2, _, _ =	vpop (xrf2)  }
0x154: {  	[tilespmem:v1+s19+$0x0] =	vst.idx.msk vm0, v2  }
0x155: {  	v1 =	vld [tilespmem:s30+$0x0];
	_ =	sdelay $0x4  }
0x156: {  	v1 =	vsub.f32 $0.0e+00, v1;
	_ =	sdelay $0x1  }
0x157: {  	v1 =	vmul.f32 $1.442695020e+00, v1;
	_ =	sdelay $0x1  }
0x158: {  	(erf) = vpow2.f32 v1;
	_ =	sdelay $0x8  }
0x159: {  	v1 =	vpop (erf)  }
0x15a: {  	v1 =	vadd.f32 $1.000000000e+00, v1;
	_ =	sdelay $0x1  }
0x15b: {  	(erf) = vrcp.f32 v1;
	_ =	sdelay $0x4  }
0x15c: {  	p0 =	sne.s32 s9, $0xF0  }
.Ltmp0:
0x15d: {  	_ = 	snop;
	(pc) =	sbr.rel @p0 .LBB2_4-.Ltmp0, $3  }
0x15e: {  	_ =	sdelay $0x1  }
0x15f: {  	s9 =	sadd.s32 $0x10, s9;
	v1 =	vpop (erf)  }
0x160: {  	s2 =	sadd.s32 $0x400, s2;
	s1 =	sadd.s32 $0x400, s1;
	[tilespmem:s30+$0x0] =	vst v1;
	s30 =	sadd.s32 $0x10, s30  }
0x161: {  	p0 =	seq.s32 s28, $0xF  }
0x162: {  	s1 =	sadd.s32 @!p0 $0x200, s0;
	s2 =	simm.s32 @!p0 $0x100;
	s9 =	simm.s32 @!p0 $0x4000  }
0x163: {  	[tilespmem:s9], [sflag:$0x1] =	stream.indirect.gather @!p0 [hbm4b:s3+s2], $0x40, s1, s2, $0xb8;
	[tilespmem:$0x1C000] =	vst v63  }
0x164: {  	s0 =	sadd.s32 @!p0 $0x2200, s0;
	s1 =	simm.s32 @!p0 $0xC000  }
0x165: {  	[tilespmem:s1], [sflag:$0x3] =	stream.indirect.gather @!p0 [hbm4b:s4+s2], $0x40, s0, s2, $0xb8;
	[tilespmem:$0x1C000] =	vst v63  }
0x166: {  	_ =	swait.ge [sflag:s20], $0x4000  }
0x167: {  	[sflag:s20] =	ssyncset.done $0x0  }
0x168: {  	[sflag:s20] =	ssyncadd.s32 $0xFFFFC000  }
0x169: {  	_ =	swait.ge [sflag:s21], $0x4000  }
0x16a: {  	s9 =	smov.u32 s29;
	s0 =	simm.s32 $0x0;
	[sflag:s21] =	ssyncset.done $0x0  }
0x16b: {  	s1 =	simm.s32 $0x8200;
	s2 =	simm.s32 $0x10200;
	[sflag:s21] =	ssyncadd.s32 $0xFFFFC000  }
.LBB2_6:
0x16c: {  	v1 =	vld [tilespmem:s1+$0xFFFFFE00]  }
0x16d: {  	v2 =	vld [tilespmem:s2+$0xFFFFFE00]  }
0x16e: {  	v3 =	vld [tilespmem:s1+$0xFFFFFE10]  }
0x16f: {  	v4 =	vld [tilespmem:s2+$0xFFFFFE10]  }
0x170: {  	v5 =	vld [tilespmem:s1+$0xFFFFFE20]  }
0x171: {  	v6 =	vld [tilespmem:s2+$0xFFFFFE20]  }
0x172: {  	v7 =	vld [tilespmem:s1+$0xFFFFFE30]  }
0x173: {  	v8 =	vld [tilespmem:s2+$0xFFFFFE30]  }
0x174: {  	v1 =	vmul.f32 v2, v1;
	v2 =	vmul.f32 v4, v3;
	_ =	sdelay $0x1  }
0x175: {  	v1 =	vadd.f32 v2, v1;
	v2 =	vmul.f32 v6, v5;
	_ =	sdelay $0x1  }
0x176: {  	v1 =	vadd.f32 v2, v1;
	v2 =	vmul.f32 v8, v7;
	_ =	sdelay $0x1  }
0x177: {  	v1 =	vadd.f32 v2, v1;
	_ =	sdelay $0x1  }
0x178: {  	s22 =	sadd.s32 s0, s31;
	(xrf2) =	vadd.scan.msk.f32 $0xffff, v1  }
0x179: {  	s13 =	sadd.s32 $0x100, s22  }
0x17a: {  	v1 =	vmov s13  }
0x17b: {  	v1 =	vshrl.u32 v1, $0x3  }
0x17c: {  	v1 =	vshll.u32 v1, v0  }
0x17d: {  	v2 =	vbroadcast v1, $0x0;
	_ =	sdelay $0x4  }
0x17e: {  	v3, _, _ =	vpop (xrf2)  }
0x17f: {  	[tilespmem:v2+s19+$0x0] =	vst.idx.msk vm0, v3  }
0x180: {  	v2 =	vld [tilespmem:s1+$0xFFFFFE40]  }
0x181: {  	v3 =	vld [tilespmem:s2+$0xFFFFFE40]  }
0x182: {  	v35 =	vld [tilespmem:s1+$0xFFFFFE50]  }
0x183: {  	v36 =	vld [tilespmem:s2+$0xFFFFFE50]  }
0x184: {  	v37 =	vld [tilespmem:s1+$0xFFFFFE60]  }
0x185: {  	v38 =	vld [tilespmem:s2+$0xFFFFFE60]  }
0x186: {  	v39 =	vld [tilespmem:s1+$0xFFFFFE70]  }
0x187: {  	v9 =	vld [tilespmem:s2+$0xFFFFFE70]  }
0x188: {  	v2 =	vmul.f32 v3, v2;
	v3 =	vmul.f32 v36, v35;
	_ =	sdelay $0x1  }
0x189: {  	v2 =	vadd.f32 v3, v2;
	v3 =	vmul.f32 v38, v37;
	_ =	sdelay $0x1  }
0x18a: {  	v2 =	vadd.f32 v3, v2;
	v3 =	vmul.f32 v9, v39;
	_ =	sdelay $0x1  }
0x18b: {  	v2 =	vadd.f32 v3, v2;
	_ =	sdelay $0x1  }
0x18c: {  	(xrf2) =	vadd.scan.msk.f32 $0xffff, v2;
	_ =	sdelay $0x4  }
0x18d: {  	s30 =	sadd.s32 $0x101, s22  }
0x18e: {  	v2 =	vmov s30;
	_ =	sdelay $0x3  }
0x18f: {  	v3, _, _ =	vpop (xrf2)  }
0x190: {  	[tilespmem:v2+s19+$0x0] =	vst.idx.msk vm0, v3  }
0x191: {  	v2 =	vld [tilespmem:s1+$0xFFFFFE80]  }
0x192: {  	v3 =	vld [tilespmem:s2+$0xFFFFFE80]  }
0x193: {  	v40 =	vld [tilespmem:s1+$0xFFFFFE90]  }
0x194: {  	v41 =	vld [tilespmem:s2+$0xFFFFFE90]  }
0x195: {  	v42 =	vld [tilespmem:s1+$0xFFFFFEA0]  }
0x196: {  	v43 =	vld [tilespmem:s2+$0xFFFFFEA0]  }
0x197: {  	v44 =	vld [tilespmem:s1+$0xFFFFFEB0]  }
0x198: {  	v45 =	vld [tilespmem:s2+$0xFFFFFEB0]  }
0x199: {  	v2 =	vmul.f32 v3, v2;
	v3 =	vmul.f32 v41, v40;
	_ =	sdelay $0x1  }
0x19a: {  	v2 =	vadd.f32 v3, v2;
	v3 =	vmul.f32 v43, v42;
	_ =	sdelay $0x1  }
0x19b: {  	v2 =	vadd.f32 v3, v2;
	v3 =	vmul.f32 v45, v44;
	_ =	sdelay $0x1  }
0x19c: {  	v2 =	vadd.f32 v3, v2;
	_ =	sdelay $0x1  }
0x19d: {  	(xrf2) =	vadd.scan.msk.f32 $0xffff, v2;
	_ =	sdelay $0x4  }
0x19e: {  	s30 =	sadd.s32 $0x102, s22  }
0x19f: {  	v2 =	vmov s30;
	_ =	sdelay $0x3  }
0x1a0: {  	v3, _, _ =	vpop (xrf2)  }
0x1a1: {  	[tilespmem:v2+s19+$0x0] =	vst.idx.msk vm0, v3  }
0x1a2: {  	v2 =	vld [tilespmem:s1+$0xFFFFFEC0]  }
0x1a3: {  	v3 =	vld [tilespmem:s2+$0xFFFFFEC0]  }
0x1a4: {  	v46 =	vld [tilespmem:s1+$0xFFFFFED0]  }
0x1a5: {  	v47 =	vld [tilespmem:s2+$0xFFFFFED0]  }
0x1a6: {  	v48 =	vld [tilespmem:s1+$0xFFFFFEE0]  }
0x1a7: {  	v49 =	vld [tilespmem:s2+$0xFFFFFEE0]  }
0x1a8: {  	v50 =	vld [tilespmem:s1+$0xFFFFFEF0]  }
0x1a9: {  	v51 =	vld [tilespmem:s2+$0xFFFFFEF0]  }
0x1aa: {  	v2 =	vmul.f32 v3, v2;
	v3 =	vmul.f32 v47, v46;
	_ =	sdelay $0x1  }
0x1ab: {  	v2 =	vadd.f32 v3, v2;
	v3 =	vmul.f32 v49, v48;
	_ =	sdelay $0x1  }
0x1ac: {  	v2 =	vadd.f32 v3, v2;
	v3 =	vmul.f32 v51, v50;
	_ =	sdelay $0x1  }
0x1ad: {  	v2 =	vadd.f32 v3, v2;
	_ =	sdelay $0x1  }
0x1ae: {  	(xrf2) =	vadd.scan.msk.f32 $0xffff, v2;
	_ =	sdelay $0x4  }
0x1af: {  	s30 =	sadd.s32 $0x103, s22  }
0x1b0: {  	v2 =	vmov s30;
	_ =	sdelay $0x3  }
0x1b1: {  	v3, _, _ =	vpop (xrf2)  }
0x1b2: {  	[tilespmem:v2+s19+$0x0] =	vst.idx.msk vm0, v3  }
0x1b3: {  	v2 =	vld [tilespmem:s1+$0xFFFFFF00]  }
0x1b4: {  	v3 =	vld [tilespmem:s2+$0xFFFFFF00]  }
0x1b5: {  	v52 =	vld [tilespmem:s1+$0xFFFFFF10]  }
0x1b6: {  	v53 =	vld [tilespmem:s2+$0xFFFFFF10]  }
0x1b7: {  	v54 =	vld [tilespmem:s1+$0xFFFFFF20]  }
0x1b8: {  	v55 =	vld [tilespmem:s2+$0xFFFFFF20]  }
0x1b9: {  	v56 =	vld [tilespmem:s1+$0xFFFFFF30]  }
0x1ba: {  	v57 =	vld [tilespmem:s2+$0xFFFFFF30]  }
0x1bb: {  	v2 =	vmul.f32 v3, v2;
	v3 =	vmul.f32 v53, v52;
	_ =	sdelay $0x1  }
0x1bc: {  	v2 =	vadd.f32 v3, v2;
	v3 =	vmul.f32 v55, v54;
	_ =	sdelay $0x1  }
0x1bd: {  	v2 =	vadd.f32 v3, v2;
	v3 =	vmul.f32 v57, v56;
	_ =	sdelay $0x1  }
0x1be: {  	v2 =	vadd.f32 v3, v2;
	_ =	sdelay $0x1  }
0x1bf: {  	(xrf2) =	vadd.scan.msk.f32 $0xffff, v2;
	_ =	sdelay $0x4  }
0x1c0: {  	s30 =	sadd.s32 $0x104, s22  }
0x1c1: {  	v2 =	vmov s30;
	_ =	sdelay $0x3  }
0x1c2: {  	v3, _, _ =	vpop (xrf2)  }
0x1c3: {  	[tilespmem:v2+s19+$0x0] =	vst.idx.msk vm0, v3  }
0x1c4: {  	v2 =	vld [tilespmem:s1+$0xFFFFFF40]  }
0x1c5: {  	v3 =	vld [tilespmem:s2+$0xFFFFFF40]  }
0x1c6: {  	v58 =	vld [tilespmem:s1+$0xFFFFFF50]  }
0x1c7: {  	v59 =	vld [tilespmem:s2+$0xFFFFFF50]  }
0x1c8: {  	v60 =	vld [tilespmem:s1+$0xFFFFFF60]  }
0x1c9: {  	v61 =	vld [tilespmem:s2+$0xFFFFFF60]  }
0x1ca: {  	v62 =	vld [tilespmem:s1+$0xFFFFFF70]  }
0x1cb: {  	v63 =	vld [tilespmem:s2+$0xFFFFFF70]  }
0x1cc: {  	v2 =	vmul.f32 v3, v2;
	v3 =	vmul.f32 v59, v58;
	_ =	sdelay $0x1  }
0x1cd: {  	v2 =	vadd.f32 v3, v2;
	v3 =	vmul.f32 v61, v60;
	_ =	sdelay $0x1  }
0x1ce: {  	v2 =	vadd.f32 v3, v2;
	v3 =	vmul.f32 v63, v62;
	_ =	sdelay $0x1  }
0x1cf: {  	v2 =	vadd.f32 v3, v2;
	_ =	sdelay $0x1  }
0x1d0: {  	(xrf2) =	vadd.scan.msk.f32 $0xffff, v2;
	_ =	sdelay $0x4  }
0x1d1: {  	s30 =	sadd.s32 $0x105, s22  }
0x1d2: {  	v2 =	vmov s30;
	_ =	sdelay $0x3  }
0x1d3: {  	v3, _, _ =	vpop (xrf2)  }
0x1d4: {  	[tilespmem:v2+s19+$0x0] =	vst.idx.msk vm0, v3  }
0x1d5: {  	v2 =	vld [tilespmem:s1+$0xFFFFFF80]  }
0x1d6: {  	v3 =	vld [tilespmem:s2+$0xFFFFFF80]  }
0x1d7: {  	v12 =	vld [tilespmem:s1+$0xFFFFFF90]  }
0x1d8: {  	v13 =	vld [tilespmem:s2+$0xFFFFFF90]  }
0x1d9: {  	v14 =	vld [tilespmem:s1+$0xFFFFFFA0]  }
0x1da: {  	v15 =	vld [tilespmem:s2+$0xFFFFFFA0]  }
0x1db: {  	v16 =	vld [tilespmem:s1+$0xFFFFFFB0]  }
0x1dc: {  	v17 =	vld [tilespmem:s2+$0xFFFFFFB0]  }
0x1dd: {  	v2 =	vmul.f32 v3, v2;
	v3 =	vmul.f32 v13, v12;
	_ =	sdelay $0x1  }
0x1de: {  	v2 =	vadd.f32 v3, v2;
	v3 =	vmul.f32 v15, v14;
	_ =	sdelay $0x1  }
0x1df: {  	v2 =	vadd.f32 v3, v2;
	v3 =	vmul.f32 v17, v16;
	_ =	sdelay $0x1  }
0x1e0: {  	v2 =	vadd.f32 v3, v2;
	_ =	sdelay $0x1  }
0x1e1: {  	(xrf2) =	vadd.scan.msk.f32 $0xffff, v2;
	_ =	sdelay $0x4  }
0x1e2: {  	s30 =	sadd.s32 $0x106, s22  }
0x1e3: {  	v2 =	vmov s30;
	_ =	sdelay $0x3  }
0x1e4: {  	v3, _, _ =	vpop (xrf2)  }
0x1e5: {  	[tilespmem:v2+s19+$0x0] =	vst.idx.msk vm0, v3  }
0x1e6: {  	v2 =	vld [tilespmem:s1+$0xFFFFFFC0]  }
0x1e7: {  	v3 =	vld [tilespmem:s2+$0xFFFFFFC0]  }
0x1e8: {  	v18 =	vld [tilespmem:s1+$0xFFFFFFD0]  }
0x1e9: {  	v19 =	vld [tilespmem:s2+$0xFFFFFFD0]  }
0x1ea: {  	v20 =	vld [tilespmem:s1+$0xFFFFFFE0]  }
0x1eb: {  	v21 =	vld [tilespmem:s2+$0xFFFFFFE0]  }
0x1ec: {  	v22 =	vld [tilespmem:s1+$0xFFFFFFF0]  }
0x1ed: {  	v23 =	vld [tilespmem:s2+$0xFFFFFFF0]  }
0x1ee: {  	v2 =	vmul.f32 v3, v2;
	v3 =	vmul.f32 v19, v18;
	_ =	sdelay $0x1  }
0x1ef: {  	v2 =	vadd.f32 v3, v2;
	v3 =	vmul.f32 v21, v20;
	_ =	sdelay $0x1  }
0x1f0: {  	v2 =	vadd.f32 v3, v2;
	v3 =	vmul.f32 v23, v22;
	_ =	sdelay $0x1  }
0x1f1: {  	v2 =	vadd.f32 v3, v2;
	_ =	sdelay $0x1  }
0x1f2: {  	(xrf2) =	vadd.scan.msk.f32 $0xffff, v2;
	_ =	sdelay $0x3  }
0x1f3: {  	v1 =	vadd.s32 $0x7, v1  }
0x1f4: {  	v1 =	vbroadcast v1, $0x0;
	_ =	sdelay $0x4  }
0x1f5: {  	v2, _, _ =	vpop (xrf2)  }
0x1f6: {  	[tilespmem:v1+s19+$0x0] =	vst.idx.msk vm0, v2  }
0x1f7: {  	v1 =	vld [tilespmem:s1+$0x0]  }
0x1f8: {  	v2 =	vld [tilespmem:s2+$0x0]  }
0x1f9: {  	v3 =	vld [tilespmem:s1+$0x10]  }
0x1fa: {  	v24 =	vld [tilespmem:s2+$0x10]  }
0x1fb: {  	v25 =	vld [tilespmem:s1+$0x20]  }
0x1fc: {  	v26 =	vld [tilespmem:s2+$0x20]  }
0x1fd: {  	v27 =	vld [tilespmem:s1+$0x30]  }
0x1fe: {  	v28 =	vld [tilespmem:s2+$0x30]  }
0x1ff: {  	v1 =	vmul.f32 v2, v1;
	v2 =	vmul.f32 v24, v3;
	_ =	sdelay $0x1  }
0x200: {  	v1 =	vadd.f32 v2, v1;
	v2 =	vmul.f32 v26, v25;
	_ =	sdelay $0x1  }
0x201: {  	v1 =	vadd.f32 v2, v1;
	v2 =	vmul.f32 v28, v27;
	_ =	sdelay $0x1  }
0x202: {  	v1 =	vadd.f32 v2, v1;
	_ =	sdelay $0x1  }
0x203: {  	(xrf2) =	vadd.scan.msk.f32 $0xffff, v1;
	_ =	sdelay $0x4  }
0x204: {  	s30 =	sadd.s32 $0x108, s22  }
0x205: {  	v1 =	vmov s30;
	_ =	sdelay $0x3  }
0x206: {  	v2, _, _ =	vpop (xrf2)  }
0x207: {  	[tilespmem:v1+s19+$0x0] =	vst.idx.msk vm0, v2  }
0x208: {  	v1 =	vld [tilespmem:s1+$0x40]  }
0x209: {  	v2 =	vld [tilespmem:s2+$0x40]  }
0x20a: {  	v3 =	vld [tilespmem:s1+$0x50]  }
0x20b: {  	v29 =	vld [tilespmem:s2+$0x50]  }
0x20c: {  	v30 =	vld [tilespmem:s1+$0x60]  }
0x20d: {  	v31 =	vld [tilespmem:s2+$0x60]  }
0x20e: {  	v32 =	vld [tilespmem:s1+$0x70]  }
0x20f: {  	v33 =	vld [tilespmem:s2+$0x70]  }
0x210: {  	v1 =	vmul.f32 v2, v1;
	v2 =	vmul.f32 v29, v3;
	_ =	sdelay $0x1  }
0x211: {  	v1 =	vadd.f32 v2, v1;
	v2 =	vmul.f32 v31, v30;
	_ =	sdelay $0x1  }
0x212: {  	v1 =	vadd.f32 v2, v1;
	v2 =	vmul.f32 v33, v32;
	_ =	sdelay $0x1  }
0x213: {  	v1 =	vadd.f32 v2, v1;
	_ =	sdelay $0x1  }
0x214: {  	(xrf2) =	vadd.scan.msk.f32 $0xffff, v1;
	_ =	sdelay $0x4  }
0x215: {  	s30 =	sadd.s32 $0x109, s22  }
0x216: {  	v1 =	vmov s30;
	_ =	sdelay $0x3  }
0x217: {  	v2, _, _ =	vpop (xrf2)  }
0x218: {  	[tilespmem:v1+s19+$0x0] =	vst.idx.msk vm0, v2  }
0x219: {  	v1 =	vld [tilespmem:s1+$0x80]  }
0x21a: {  	v2 =	vld [tilespmem:s2+$0x80]  }
0x21b: {  	v3 =	vld [tilespmem:s1+$0x90]  }
0x21c: {  	v34 =	vld [tilespmem:s2+$0x90]  }
0x21d: {  	v35 =	vld [tilespmem:s1+$0xA0]  }
0x21e: {  	v36 =	vld [tilespmem:s2+$0xA0]  }
0x21f: {  	v37 =	vld [tilespmem:s1+$0xB0]  }
0x220: {  	v38 =	vld [tilespmem:s2+$0xB0]  }
0x221: {  	v1 =	vmul.f32 v2, v1;
	v2 =	vmul.f32 v34, v3;
	_ =	sdelay $0x1  }
0x222: {  	v1 =	vadd.f32 v2, v1;
	v2 =	vmul.f32 v36, v35;
	_ =	sdelay $0x1  }
0x223: {  	v1 =	vadd.f32 v2, v1;
	v2 =	vmul.f32 v38, v37;
	_ =	sdelay $0x1  }
0x224: {  	v1 =	vadd.f32 v2, v1;
	_ =	sdelay $0x1  }
0x225: {  	(xrf2) =	vadd.scan.msk.f32 $0xffff, v1;
	_ =	sdelay $0x4  }
0x226: {  	s30 =	sadd.s32 $0x10A, s22  }
0x227: {  	v1 =	vmov s30;
	_ =	sdelay $0x3  }
0x228: {  	v2, _, _ =	vpop (xrf2)  }
0x229: {  	[tilespmem:v1+s19+$0x0] =	vst.idx.msk vm0, v2  }
0x22a: {  	v1 =	vld [tilespmem:s1+$0xC0]  }
0x22b: {  	v2 =	vld [tilespmem:s2+$0xC0]  }
0x22c: {  	v3 =	vld [tilespmem:s1+$0xD0]  }
0x22d: {  	v39 =	vld [tilespmem:s2+$0xD0]  }
0x22e: {  	v40 =	vld [tilespmem:s1+$0xE0]  }
0x22f: {  	v41 =	vld [tilespmem:s2+$0xE0]  }
0x230: {  	v42 =	vld [tilespmem:s1+$0xF0]  }
0x231: {  	v43 =	vld [tilespmem:s2+$0xF0]  }
0x232: {  	v1 =	vmul.f32 v2, v1;
	v2 =	vmul.f32 v39, v3;
	_ =	sdelay $0x1  }
0x233: {  	v1 =	vadd.f32 v2, v1;
	v2 =	vmul.f32 v41, v40;
	_ =	sdelay $0x1  }
0x234: {  	v1 =	vadd.f32 v2, v1;
	v2 =	vmul.f32 v43, v42;
	_ =	sdelay $0x1  }
0x235: {  	v1 =	vadd.f32 v2, v1;
	_ =	sdelay $0x1  }
0x236: {  	(xrf2) =	vadd.scan.msk.f32 $0xffff, v1;
	_ =	sdelay $0x4  }
0x237: {  	s30 =	sadd.s32 $0x10B, s22  }
0x238: {  	v1 =	vmov s30;
	_ =	sdelay $0x3  }
0x239: {  	v2, _, _ =	vpop (xrf2)  }
0x23a: {  	[tilespmem:v1+s19+$0x0] =	vst.idx.msk vm0, v2  }
0x23b: {  	v1 =	vld [tilespmem:s1+$0x100]  }
0x23c: {  	v2 =	vld [tilespmem:s2+$0x100]  }
0x23d: {  	v3 =	vld [tilespmem:s1+$0x110]  }
0x23e: {  	v44 =	vld [tilespmem:s2+$0x110]  }
0x23f: {  	v45 =	vld [tilespmem:s1+$0x120]  }
0x240: {  	v46 =	vld [tilespmem:s2+$0x120]  }
0x241: {  	v47 =	vld [tilespmem:s1+$0x130]  }
0x242: {  	v48 =	vld [tilespmem:s2+$0x130]  }
0x243: {  	v1 =	vmul.f32 v2, v1;
	v2 =	vmul.f32 v44, v3;
	_ =	sdelay $0x1  }
0x244: {  	v1 =	vadd.f32 v2, v1;
	v2 =	vmul.f32 v46, v45;
	_ =	sdelay $0x1  }
0x245: {  	v1 =	vadd.f32 v2, v1;
	v2 =	vmul.f32 v48, v47;
	_ =	sdelay $0x1  }
0x246: {  	v1 =	vadd.f32 v2, v1;
	_ =	sdelay $0x1  }
0x247: {  	(xrf2) =	vadd.scan.msk.f32 $0xffff, v1;
	_ =	sdelay $0x4  }
0x248: {  	s30 =	sadd.s32 $0x10C, s22  }
0x249: {  	v1 =	vmov s30;
	_ =	sdelay $0x3  }
0x24a: {  	v2, _, _ =	vpop (xrf2)  }
0x24b: {  	[tilespmem:v1+s19+$0x0] =	vst.idx.msk vm0, v2  }
0x24c: {  	v1 =	vld [tilespmem:s1+$0x140]  }
0x24d: {  	v2 =	vld [tilespmem:s2+$0x140]  }
0x24e: {  	v3 =	vld [tilespmem:s1+$0x150]  }
0x24f: {  	v49 =	vld [tilespmem:s2+$0x150]  }
0x250: {  	v50 =	vld [tilespmem:s1+$0x160]  }
0x251: {  	v51 =	vld [tilespmem:s2+$0x160]  }
0x252: {  	v52 =	vld [tilespmem:s1+$0x170]  }
0x253: {  	v53 =	vld [tilespmem:s2+$0x170]  }
0x254: {  	v1 =	vmul.f32 v2, v1;
	v2 =	vmul.f32 v49, v3;
	_ =	sdelay $0x1  }
0x255: {  	v1 =	vadd.f32 v2, v1;
	v2 =	vmul.f32 v51, v50;
	_ =	sdelay $0x1  }
0x256: {  	v1 =	vadd.f32 v2, v1;
	v2 =	vmul.f32 v53, v52;
	_ =	sdelay $0x1  }
0x257: {  	v1 =	vadd.f32 v2, v1;
	_ =	sdelay $0x1  }
0x258: {  	(xrf2) =	vadd.scan.msk.f32 $0xffff, v1;
	_ =	sdelay $0x4  }
0x259: {  	s30 =	sadd.s32 $0x10D, s22  }
0x25a: {  	v1 =	vmov s30;
	_ =	sdelay $0x3  }
0x25b: {  	v2, _, _ =	vpop (xrf2)  }
0x25c: {  	[tilespmem:v1+s19+$0x0] =	vst.idx.msk vm0, v2  }
0x25d: {  	v1 =	vld [tilespmem:s1+$0x180]  }
0x25e: {  	v2 =	vld [tilespmem:s2+$0x180]  }
0x25f: {  	v3 =	vld [tilespmem:s1+$0x190]  }
0x260: {  	v54 =	vld [tilespmem:s2+$0x190]  }
0x261: {  	v55 =	vld [tilespmem:s1+$0x1A0]  }
0x262: {  	v56 =	vld [tilespmem:s2+$0x1A0]  }
0x263: {  	v57 =	vld [tilespmem:s1+$0x1B0]  }
0x264: {  	v58 =	vld [tilespmem:s2+$0x1B0]  }
0x265: {  	v1 =	vmul.f32 v2, v1;
	v2 =	vmul.f32 v54, v3;
	_ =	sdelay $0x1  }
0x266: {  	v1 =	vadd.f32 v2, v1;
	v2 =	vmul.f32 v56, v55;
	_ =	sdelay $0x1  }
0x267: {  	v1 =	vadd.f32 v2, v1;
	v2 =	vmul.f32 v58, v57;
	_ =	sdelay $0x1  }
0x268: {  	v1 =	vadd.f32 v2, v1;
	_ =	sdelay $0x1  }
0x269: {  	(xrf2) =	vadd.scan.msk.f32 $0xffff, v1;
	_ =	sdelay $0x4  }
0x26a: {  	s30 =	sadd.s32 $0x10E, s22  }
0x26b: {  	v1 =	vmov s30;
	_ =	sdelay $0x3  }
0x26c: {  	v2, _, _ =	vpop (xrf2)  }
0x26d: {  	[tilespmem:v1+s19+$0x0] =	vst.idx.msk vm0, v2  }
0x26e: {  	v1 =	vld [tilespmem:s1+$0x1C0]  }
0x26f: {  	v2 =	vld [tilespmem:s2+$0x1C0]  }
0x270: {  	v3 =	vld [tilespmem:s1+$0x1D0]  }
0x271: {  	v59 =	vld [tilespmem:s2+$0x1D0]  }
0x272: {  	v60 =	vld [tilespmem:s1+$0x1E0]  }
0x273: {  	v61 =	vld [tilespmem:s2+$0x1E0]  }
0x274: {  	v62 =	vld [tilespmem:s1+$0x1F0]  }
0x275: {  	v63 =	vld [tilespmem:s2+$0x1F0]  }
0x276: {  	v1 =	vmul.f32 v2, v1;
	v2 =	vmul.f32 v59, v3;
	_ =	sdelay $0x1  }
0x277: {  	v1 =	vadd.f32 v2, v1;
	v2 =	vmul.f32 v61, v60;
	_ =	sdelay $0x1  }
0x278: {  	v1 =	vadd.f32 v2, v1;
	v2 =	vmul.f32 v63, v62;
	_ =	sdelay $0x1  }
0x279: {  	v1 =	vadd.f32 v2, v1;
	_ =	sdelay $0x1  }
0x27a: {  	s30 =	sadd.s32 $0x10F, s22;
	(xrf2) =	vadd.scan.msk.f32 $0xffff, v1  }
0x27b: {  	v1 =	vmov s30  }
0x27c: {  	v1 =	vshrl.u32 v1, $0x3  }
0x27d: {  	v1 =	vshll.u32 v1, v0  }
0x27e: {  	v1 =	vadd.s32 $0x7, v1  }
0x27f: {  	v1 =	vbroadcast v1, $0x0;
	_ =	sdelay $0x4  }
0x280: {  	v2, _, _ =	vpop (xrf2)  }
0x281: {  	[tilespmem:v1+s19+$0x0] =	vst.idx.msk vm0, v2  }
0x282: {  	v1 =	vld [tilespmem:s9+$0x0];
	_ =	sdelay $0x4  }
0x283: {  	v1 =	vsub.f32 $0.0e+00, v1;
	_ =	sdelay $0x1  }
0x284: {  	v1 =	vmul.f32 $1.442695020e+00, v1;
	_ =	sdelay $0x1  }
0x285: {  	(erf) = vpow2.f32 v1;
	_ =	sdelay $0x8  }
0x286: {  	v1 =	vpop (erf)  }
0x287: {  	v1 =	vadd.f32 $1.000000000e+00, v1;
	_ =	sdelay $0x1  }
0x288: {  	(erf) = vrcp.f32 v1;
	_ =	sdelay $0x4  }
0x289: {  	p0 =	sne.s32 s0, $0xF0  }
.Ltmp1:
0x28a: {  	_ = 	snop;
	(pc) =	sbr.rel @p0 .LBB2_6-.Ltmp1, $3  }
0x28b: {  	_ =	sdelay $0x1  }
0x28c: {  	s0 =	sadd.s32 $0x10, s0;
	v1 =	vpop (erf)  }
0x28d: {  	s1 =	sadd.s32 $0x400, s1;
	s2 =	sadd.s32 $0x400, s2;
	[tilespmem:s9+$0x0] =	vst v1;
	s9 =	sadd.s32 $0x10, s9  }
0x28e: {  	s28 =	sadd.s32 $0x1, s28  }
0x28f: {  	p0 =	sne.s32 s28, $0x10  }
.Ltmp2:
0x290: {  	_ = 	snop;
	(pc) =	sbr.rel @p0 .LBB2_3-.Ltmp2, $2  }
0x291: {  	_ =	sdelay $0x2  }
0x292: {  	s31 =	sadd.s32 $0x200, s31;
	s24 =	sadd.s32 $0x200, s24;
	s29 =	sadd.s32 $0x200, s29  }
0x293: {  	s26 =	sadd.s32 $0x1, s26  }
0x294: {  	p0 =	sne.s32 s26, $0x4  }
.Ltmp3:
0x295: {  	_ = 	snop;
	(pc) =	sbr.rel @p0 .LBB2_2-.Ltmp3, $2  }
0x296: {  	_ =	sdelay $0x2  }
0x297: {  	s25 =	sadd.s32 $0x2000, s25;
	s8 =	sadd.s32 $0x2000, s8;
	s23 =	sadd.s32 $0x2000, s23  }
0x298: {  	s0 =	simm.s32 $0x0;
	s1 =	rddreg [dreg:$0x3]  }
0x299: {  	[hbm4b:s1+s0] =	stream.linear.scatter [tilespmem:s19], [sflag:$0x5], $0x8000, $0x38;
	[tilespmem:$0x1C000] =	vst v63  }
0x29a: {  	_ =	swait.ge [sflag:s10], $0x8000  }
0x29b: {  	s30 =	rddreg [dreg:$0x5]  }
0x29c: {  	s31 =	rddreg [dreg:$0x4];
	s1 =	sadd.s32 $0x1, s30  }
0x29d: {  	p0 =	sne.s32 s1, s31  }
.Ltmp4:
0x29e: {  	_ = 	snop;
	(pc) =	sbr.rel @p0 .LBB2_1-.Ltmp4, $3  }
0x29f: {  	_ =	sdelay $0x1  }
0x2a0: {  	[sflag:s10] =	ssyncset.done $0x0  }
0x2a1: {  	[sflag:s10] =	ssyncadd.s32 $0xFFFF8000  }
0x2a2: {  	_ =	sfence.sel $0x180000  }
0x2a3: {  	[bflag:$0x0] =	sbarrier.arrive $0xFFFF  }
0x2a4: {  	_ =	strace $0x90000047  }
0x2a5: {  	s0 =	stileid.u32;
	[bflag:$0x2] =	sbarrier.arrive $0xFFFF  }
0x2a6: {  	p0 =	sne.s32 s0, $0x0;
	s0 =	rddreg [dreg:$0x2]  }
0x2a7: {  	s0 =	sadd.s32 @!p0 $0x100000, s0  }
0x2a8: {  	[sflag:s0] =	ssyncadd.tile.s32 @!p0 $0x1;
	_ =	shalt  }
.Lfunc_end2:
_tile_overlayer_lowered:
.L_overlay_start_2:
0x2a9: {  	(tag) =	ssettag $0x2  }
0x2aa: {  	s0 =	rddreg [dreg:$0x0];
	s2 =	stileid.u32  }
0x2ab: {  	s1 =	rddreg [dreg:$0x1];
	p0 =	sne.s32 s2, $0x0  }
0x2ac: {  	s3 =	rddreg [dreg:$0x2];
	[bflag:$0x3] =	sbarrier.arrive $0xFFFF;
	s2 =	simm.s32 @!p0 $0x1C05  }
0x2ad: {  	[timem:s3], [sflag:s2] =	dma.local @!p0 [hbm:s0], s1  }
0x2ae: {  	s0 =	simm.s32 @!p0 $0x5  }
0x2af: {  	_ =	swait.ge @!p0 [sflag:s0], s1  }
0x2b0: {  	s1 =	ssub.s32 @!p0 $0x0, s1;
	[sflag:s0] =	ssyncset.done @!p0 $0x0  }
0x2b1: {  	[sflag:s0] =	ssyncadd.s32 @!p0 s1  }
0x2b2: {  	[bflag:$0x3] =	sbarrier.arrive $0xFFFF  }
0x2b3: {  	_ =	shalt  }

</sc_bundles>
